<compile_context>
chip_gen: v7x
topology: tpu7x:2x2x1
jax: 0.10.2.dev20260603
libtpu: 0.0.44.dev20260713+nightly
codegen_flags: <defaults>
</compile_context>

<pallas_src>
import functools

import jax
import jax.numpy as jnp
from jax import lax
from jax.experimental import pallas as pl
from jax.experimental.pallas import tpu as pltpu
from jax.experimental.pallas import tpu_sc as plsc

VOCAB = 1000000
EMB_DIM = 64
SEQ = 32
BATCH = 4096
HIDDEN = 128

NC = 2
NS = 16
NW = NC * NS
TOTAL = BATCH * SEQ
B_PER_W = TOTAL // NW
CH = 256
NCH = B_PER_W // CH


def _sc_gather_body(table_hbm, idx_hbm, out_hbm, idx_t, rows_v, gsem, wsem):
    wid = lax.axis_index("s") * NC + lax.axis_index("c")
    base = wid * B_PER_W
    pltpu.sync_copy(idx_hbm.at[wid], idx_t)

    def chunk(j, _):
        b = lax.rem(j, 2)

        @pl.when(j >= 2)
        def _():
            pltpu.make_async_copy(
                rows_v.at[b], out_hbm.at[pl.ds(base, CH)], wsem.at[b]).wait()

        def group(g, _):
            v = idx_t[j, pl.ds(g * 16, 16)]
            for e in range(16):
                pltpu.async_copy(
                    table_hbm.at[pl.ds(v[e], 1)],
                    rows_v.at[b, pl.ds(g * 16 + e, 1)],
                    gsem.at[b])
            return 0
        lax.fori_loop(0, CH // 16, group, 0)

        def rwait(k, _):
            pltpu.make_async_copy(
                table_hbm.at[pl.ds(0, 1)], rows_v.at[b, pl.ds(0, 1)],
                gsem.at[b]).wait()
            return 0
        lax.fori_loop(0, CH, rwait, 0)

        pltpu.async_copy(
            rows_v.at[b], out_hbm.at[pl.ds(base + j * CH, CH)], wsem.at[b])
        return 0

    lax.fori_loop(0, NCH, chunk, 0)
    pltpu.make_async_copy(
        rows_v.at[(NCH - 2) % 2],
        out_hbm.at[pl.ds(base + (NCH - 2) * CH, CH)],
        wsem.at[(NCH - 2) % 2]).wait()
    pltpu.make_async_copy(
        rows_v.at[(NCH - 1) % 2],
        out_hbm.at[pl.ds(base + (NCH - 1) * CH, CH)],
        wsem.at[(NCH - 1) % 2]).wait()


@functools.cache
def _make_sc_gather():
    mesh = plsc.VectorSubcoreMesh(
        core_axis_name="c", subcore_axis_name="s", num_cores=NC, num_subcores=NS
    )
    return pl.kernel(
        _sc_gather_body,
        out_type=jax.ShapeDtypeStruct((TOTAL, EMB_DIM), jnp.float32),
        mesh=mesh,
        scratch_types=[
            pltpu.VMEM((NCH, CH), jnp.int32),
            pltpu.VMEM((2, CH, EMB_DIM), jnp.float32),
            pltpu.SemaphoreType.DMA((2,)),
            pltpu.SemaphoreType.DMA((2,)),
        ],
    )


BB = 256


def _mlp_body(x_ref, w1_ref, b1_ref, w2_ref, b2_ref, w3_ref, b3_ref,
              w4_ref, b4_ref, o_ref):
    x = x_ref[...]
    h = jax.nn.sigmoid(
        jnp.dot(x, w1_ref[...], preferred_element_type=jnp.float32) + b1_ref[...])
    h = jax.nn.sigmoid(
        jnp.dot(h, w2_ref[...], preferred_element_type=jnp.float32) + b2_ref[...])
    h = jax.nn.sigmoid(
        jnp.dot(h, w3_ref[...], preferred_element_type=jnp.float32) + b3_ref[...])
    r = jnp.sum(h * w4_ref[...], axis=1, keepdims=True) + b4_ref[...]
    o_ref[...] = jax.nn.sigmoid(r)


def _mlp(x, W1, b1, W2, b2, W3, b3, w4row, b4):
    din = SEQ * EMB_DIM
    return pl.pallas_call(
        _mlp_body,
        grid=(BATCH // BB,),
        in_specs=[
            pl.BlockSpec((BB, din), lambda i: (i, 0)),
            pl.BlockSpec((din, EMB_DIM), lambda i: (0, 0)),
            pl.BlockSpec((1, EMB_DIM), lambda i: (0, 0)),
            pl.BlockSpec((EMB_DIM, HIDDEN), lambda i: (0, 0)),
            pl.BlockSpec((1, HIDDEN), lambda i: (0, 0)),
            pl.BlockSpec((HIDDEN, HIDDEN), lambda i: (0, 0)),
            pl.BlockSpec((1, HIDDEN), lambda i: (0, 0)),
            pl.BlockSpec((1, HIDDEN), lambda i: (0, 0)),
            pl.BlockSpec((1, 1), lambda i: (0, 0)),
        ],
        out_specs=pl.BlockSpec((BB, 1), lambda i: (i, 0)),
        out_shape=jax.ShapeDtypeStruct((BATCH, 1), jnp.float32),
    )(x, W1, b1, W2, b2, W3, b3, w4row, b4)


def kernel(inputs, emb, W1, b1, W2, b2, W3, b3, W4, b4):
    idx = inputs.astype(jnp.int32).reshape(NW, NCH, CH)
    gathered = _make_sc_gather()(emb, idx)
    x = gathered.reshape(BATCH, SEQ * EMB_DIM)
    return _mlp(
        x, W1, b1.reshape(1, EMB_DIM), W2, b2.reshape(1, HIDDEN),
        W3, b3.reshape(1, HIDDEN), W4.reshape(1, HIDDEN), b4.reshape(1, 1),
    )

# --- scband reference (transcript-rebuilt; emitter-appended) ---
"""Pipeline reference for scband-lstm-net-81527069212749 (READ-ONLY COPY).

The authoritative reference and input builder live on the scoring server;
editing this copy changes nothing except your own understanding.
"""

import jax, jax.numpy as jnp
import numpy as np

VOCAB = 1000000
EMB_DIM = 64
SEQ = 32
BATCH = 4096
HIDDEN = 128


def setup_inputs(seed: int = 0) -> dict:
    key = jax.random.key(seed)
    ks = jax.random.split(key, 10)
    inputs = jax.random.randint(ks[0], (BATCH, SEQ), 0, VOCAB, dtype=jnp.int64 if jax.config.jax_enable_x64 else jnp.int32)
    emb = jax.random.normal(ks[1], (VOCAB, EMB_DIM), dtype=jnp.float32) * 0.02
    W1 = jax.random.normal(ks[2], (EMB_DIM * SEQ, EMB_DIM), dtype=jnp.float32) * 0.02
    b1 = jnp.zeros((EMB_DIM,), dtype=jnp.float32)
    W2 = jax.random.normal(ks[3], (EMB_DIM, HIDDEN), dtype=jnp.float32) * 0.02
    b2 = jnp.zeros((HIDDEN,), dtype=jnp.float32)
    W3 = jax.random.normal(ks[4], (HIDDEN, HIDDEN), dtype=jnp.float32) * 0.02
    b3 = jnp.zeros((HIDDEN,), dtype=jnp.float32)
    W4 = jax.random.normal(ks[5], (HIDDEN, 1), dtype=jnp.float32) * 0.02
    b4 = jnp.zeros((1,), dtype=jnp.float32)
    return {"inputs": inputs, "emb": emb, "W1": W1, "b1": b1, "W2": W2, "b2": b2, "W3": W3, "b3": b3, "W4": W4, "b4": b4}


def reference(inputs, emb, W1, b1, W2, b2, W3, b3, W4, b4):
    # embedding lookup (SparseCore gather)
    x = jnp.take(emb, inputs, axis=0)              # [B, 32, 64]
    x = x.reshape(x.shape[0], -1)                   # [B, 2048]
    x = jax.nn.sigmoid(x @ W1 + b1)                 # [B, 64]
    x = jax.nn.sigmoid(x @ W2 + b2)                 # [B, 128]
    x = jax.nn.sigmoid(x @ W3 + b3)                 # [B, 128]
    # Dropout(p=0.5) in eval mode -> identity
    x = jax.nn.sigmoid(x @ W4 + b4)                 # [B, 1]
    return x

if __name__ == "__main__":
    import jax
    _d = setup_inputs()
    print(jax.jit(kernel)(*tuple(_d.values())))

</pallas_src>

<mosaic_0001>
#map = affine_map<(d0, d1) -> (0, 0)>
#map1 = affine_map<(d0, d1) -> (0, 0, 0)>
module attributes {stable_mosaic.version = 14 : i64} {
  func.func @_sc_gather_body(%arg0: i32, %arg1: i32, %arg2: memref<1000000x64xf32, #tpu.memory_space<hbm>>, %arg3: memref<32x16x256xi32, #tpu.memory_space<hbm>>, %arg4: memref<131072x64xf32, #tpu.memory_space<hbm>>, %arg5: memref<16x256xi32, #tpu.memory_space<vmem>>, %arg6: memref<2x256x64xf32, #tpu.memory_space<vmem>>, %arg7: memref<2x!tpu.dma_semaphore, #tpu.memory_space<semaphore_mem>>, %arg8: memref<2x!tpu.dma_semaphore, #tpu.memory_space<semaphore_mem>>) attributes {dimension_semantics = [#tpu.dimension_semantics<core_parallel>, #tpu.dimension_semantics<subcore_parallel>], iteration_bounds = array<i64: 2, 16>, scalar_prefetch = 0 : i64, scratch_operands = 4 : i64, tpu.core_type = #tpu.core_type<sc_vector_subcore>, window_params = [{transform_indices = #map}, {transform_indices = #map1}, {transform_indices = #map}]} {
    %mul3A = arith.constant 2 : i32
    %mul3A_0 = arith.muli %arg1, %mul3A : i32
    %add3A = arith.addi %mul3A_0, %arg0 : i32
    %mul3A_1 = arith.constant 4096 : i32
    %mul3A_2 = arith.muli %add3A, %mul3A_1 : i32
    "tpu.region"() ({
      %run_scoped3A = tpu.sem_alloc : memref<!tpu.dma_semaphore, #tpu.memory_space<semaphore_mem>>
      %dma_start3A = arith.constant 0 : i32
      %dma_start3A_44 = arith.constant 0 : i32
      %dma_start3A_45 = tpu.memref_slice %arg3[%add3A, %dma_start3A, %dma_start3A_44] : memref<32x16x256xi32, #tpu.memory_space<hbm>> -> memref<1x16x256xi32, #tpu.memory_space<hbm>>
      %dma_start3A_46 = tpu.memref_squeeze %dma_start3A_45 : memref<1x16x256xi32, #tpu.memory_space<hbm>> -> memref<16x256xi32, #tpu.memory_space<hbm>>
      %dma_start3A_47 = arith.constant 0 : i32
      %dma_start3A_48 = arith.constant 0 : i32
      %dma_start3A_49 = tpu.memref_slice %arg3[%add3A, %dma_start3A_47, %dma_start3A_48] : memref<32x16x256xi32, #tpu.memory_space<hbm>> -> memref<1x16x256xi32, #tpu.memory_space<hbm>>
      %dma_start3A_50 = tpu.memref_squeeze %dma_start3A_49 : memref<1x16x256xi32, #tpu.memory_space<hbm>> -> memref<16x256xi32, #tpu.memory_space<hbm>>
      tpu.enqueue_dma source(%dma_start3A_50 : memref<16x256xi32, #tpu.memory_space<hbm>>) target(%arg5 : memref<16x256xi32, #tpu.memory_space<vmem>>) target_semaphore(%run_scoped3A : memref<!tpu.dma_semaphore, #tpu.memory_space<semaphore_mem>>)
      %dma_wait3A_51 = arith.constant 0 : i32
      %dma_wait3A_52 = arith.constant 0 : i32
      %dma_wait3A_53 = tpu.memref_slice %arg3[%add3A, %dma_wait3A_51, %dma_wait3A_52] : memref<32x16x256xi32, #tpu.memory_space<hbm>> -> memref<1x16x256xi32, #tpu.memory_space<hbm>>
      %dma_wait3A_54 = tpu.memref_squeeze %dma_wait3A_53 : memref<1x16x256xi32, #tpu.memory_space<hbm>> -> memref<16x256xi32, #tpu.memory_space<hbm>>
      %dma_wait3A_55 = arith.constant 0 : i32
      %dma_wait3A_56 = arith.constant 0 : i32
      %dma_wait3A_57 = tpu.memref_slice %arg3[%add3A, %dma_wait3A_55, %dma_wait3A_56] : memref<32x16x256xi32, #tpu.memory_space<hbm>> -> memref<1x16x256xi32, #tpu.memory_space<hbm>>
      %dma_wait3A_58 = tpu.memref_squeeze %dma_wait3A_57 : memref<1x16x256xi32, #tpu.memory_space<hbm>> -> memref<16x256xi32, #tpu.memory_space<hbm>>
      tpu.wait_dma2 semaphore(%run_scoped3A : memref<!tpu.dma_semaphore, #tpu.memory_space<semaphore_mem>>) src(%dma_wait3A_58 : memref<16x256xi32, #tpu.memory_space<hbm>>) dst(%arg5 : memref<16x256xi32, #tpu.memory_space<vmem>>)
      tpu.yield
    }) : () -> ()
    %scan3A = arith.constant 0 : i32
    %scan3A_3 = arith.constant 0 : i32
    %scan3A_4 = arith.constant 16 : i32
    %scan3A_5 = arith.addi %scan3A_3, %scan3A_4 : i32
    %scan3A_6 = arith.constant 1 : i32
    %scan3A_7 = scf.for %scan3A_44 = %scan3A_3 to %scan3A_5 step %scan3A_6 iter_args(%scan3A_45 = %scan3A) -> (i32)  : i32 {
      %rem3A = arith.constant 2 : i32
      %rem3A_46 = arith.remsi %scan3A_44, %rem3A : i32
      %ge3A = arith.constant 2 : i32
      %ge3A_47 = arith.cmpi sge, %scan3A_44, %ge3A : i32
      %convert_element_type3A = arith.extui %ge3A_47 : i1 to i32
      %cond3A = arith.constant 0 : i32
      %cond3A_48 = arith.cmpi ne, %convert_element_type3A, %cond3A : i32
      scf.if %cond3A_48 {
        %dma_wait3A_80 = arith.constant 0 : i32
        %dma_wait3A_81 = arith.constant 0 : i32
        %dma_wait3A_82 = tpu.memref_slice %arg6[%rem3A_46, %dma_wait3A_80, %dma_wait3A_81] : memref<2x256x64xf32, #tpu.memory_space<vmem>> -> memref<1x256x64xf32, #tpu.memory_space<vmem>>
        %dma_wait3A_83 = tpu.memref_squeeze %dma_wait3A_82 : memref<1x256x64xf32, #tpu.memory_space<vmem>> -> memref<256x64xf32, #tpu.memory_space<vmem>>
        %dma_wait3A_84 = arith.constant 0 : i32
        %dma_wait3A_85 = tpu.memref_slice %arg4[%mul3A_2, %dma_wait3A_84] : memref<131072x64xf32, #tpu.memory_space<hbm>> -> memref<256x64xf32, #tpu.memory_space<hbm>>
        %dma_wait3A_86 = tpu.memref_slice %arg8[%rem3A_46] : memref<2x!tpu.dma_semaphore, #tpu.memory_space<semaphore_mem>> -> memref<1x!tpu.dma_semaphore, #tpu.memory_space<semaphore_mem>>
        %dma_wait3A_87 = tpu.memref_squeeze %dma_wait3A_86 : memref<1x!tpu.dma_semaphore, #tpu.memory_space<semaphore_mem>> -> memref<!tpu.dma_semaphore, #tpu.memory_space<semaphore_mem>>
        %dma_wait3A_88 = arith.constant 0 : i32
        %dma_wait3A_89 = tpu.memref_slice %arg4[%mul3A_2, %dma_wait3A_88] : memref<131072x64xf32, #tpu.memory_space<hbm>> -> memref<256x64xf32, #tpu.memory_space<hbm>>
        %dma_wait3A_90 = arith.constant 0 : i32
        %dma_wait3A_91 = arith.constant 0 : i32
        %dma_wait3A_92 = tpu.memref_slice %arg6[%rem3A_46, %dma_wait3A_90, %dma_wait3A_91] : memref<2x256x64xf32, #tpu.memory_space<vmem>> -> memref<1x256x64xf32, #tpu.memory_space<vmem>>
        %dma_wait3A_93 = tpu.memref_squeeze %dma_wait3A_92 : memref<1x256x64xf32, #tpu.memory_space<vmem>> -> memref<256x64xf32, #tpu.memory_space<vmem>>
        tpu.wait_dma2 semaphore(%dma_wait3A_87 : memref<!tpu.dma_semaphore, #tpu.memory_space<semaphore_mem>>) src(%dma_wait3A_93 : memref<256x64xf32, #tpu.memory_space<vmem>>) dst(%dma_wait3A_89 : memref<256x64xf32, #tpu.memory_space<hbm>>)
      } else {
      }
      %scan3A_49 = arith.constant 0 : i32
      %scan3A_50 = arith.constant 0 : i32
      %scan3A_51 = arith.constant 16 : i32
      %scan3A_52 = arith.addi %scan3A_50, %scan3A_51 : i32
      %scan3A_53 = arith.constant 1 : i32
      %scan3A_54 = scf.for %scan3A_80 = %scan3A_50 to %scan3A_52 step %scan3A_53 iter_args(%scan3A_81 = %scan3A_49) -> (i32)  : i32 {
        %mul3A_82 = arith.constant 16 : i32
        %mul3A_83 = arith.muli %scan3A_80, %mul3A_82 : i32
        %get3A = arith.index_cast %scan3A_44 : i32 to index
        %get3A_84 = arith.index_cast %mul3A_83 : i32 to index
        %get3A_85 = tpu.vector_load %arg5[%get3A, %get3A_84] {strides = array<i32>} : memref<16x256xi32, #tpu.memory_space<vmem>>, vector<1x16xi32>,
        %get3A_86 = vector.shape_cast %get3A_85 : vector<1x16xi32> to vector<16xi32>
        %slice3A = vector.extract_strided_slice %get3A_86 {offsets = [0], sizes = [1], strides = [1]} : vector<16xi32> to vector<1xi32>
        %squeeze3A = vector.extract %slice3A[0] : i32 from vector<1xi32>
        %mul3A_87 = arith.constant 16 : i32
        %mul3A_88 = arith.muli %scan3A_80, %mul3A_87 : i32
        %add3A_89 = arith.constant 0 : i32
        %add3A_90 = arith.addi %mul3A_88, %add3A_89 : i32
        %dma_start3A_91 = arith.constant 0 : i32
        %dma_start3A_92 = tpu.memref_slice %arg6[%rem3A_46, %add3A_90, %dma_start3A_91] : memref<2x256x64xf32, #tpu.memory_space<vmem>> -> memref<1x1x64xf32, #tpu.memory_space<vmem>>
        %dma_start3A_93 = tpu.memref_squeeze %dma_start3A_92 : memref<1x1x64xf32, #tpu.memory_space<vmem>> -> memref<1x64xf32, #tpu.memory_space<vmem>>
        %dma_start3A_94 = arith.constant 0 : i32
        %dma_start3A_95 = tpu.memref_slice %arg2[%squeeze3A, %dma_start3A_94] : memref<1000000x64xf32, #tpu.memory_space<hbm>> -> memref<1x64xf32, #tpu.memory_space<hbm>>
        %dma_start3A_96 = tpu.memref_slice %arg7[%rem3A_46] : memref<2x!tpu.dma_semaphore, #tpu.memory_space<semaphore_mem>> -> memref<1x!tpu.dma_semaphore, #tpu.memory_space<semaphore_mem>>
        %dma_start3A_97 = tpu.memref_squeeze %dma_start3A_96 : memref<1x!tpu.dma_semaphore, #tpu.memory_space<semaphore_mem>> -> memref<!tpu.dma_semaphore, #tpu.memory_space<semaphore_mem>>
        %dma_start3A_98 = arith.constant 0 : i32
        %dma_start3A_99 = tpu.memref_slice %arg6[%rem3A_46, %add3A_90, %dma_start3A_98] : memref<2x256x64xf32, #tpu.memory_space<vmem>> -> memref<1x1x64xf32, #tpu.memory_space<vmem>>
        %dma_start3A_100 = tpu.memref_squeeze %dma_start3A_99 : memref<1x1x64xf32, #tpu.memory_space<vmem>> -> memref<1x64xf32, #tpu.memory_space<vmem>>
        %dma_start3A_101 = arith.constant 0 : i32
        %dma_start3A_102 = tpu.memref_slice %arg2[%squeeze3A, %dma_start3A_101] : memref<1000000x64xf32, #tpu.memory_space<hbm>> -> memref<1x64xf32, #tpu.memory_space<hbm>>
        tpu.enqueue_dma source(%dma_start3A_102 : memref<1x64xf32, #tpu.memory_space<hbm>>) target(%dma_start3A_100 : memref<1x64xf32, #tpu.memory_space<vmem>>) target_semaphore(%dma_start3A_97 : memref<!tpu.dma_semaphore, #tpu.memory_space<semaphore_mem>>)
        %slice3A_103 = vector.extract_strided_slice %get3A_86 {offsets = [1], sizes = [1], strides = [1]} : vector<16xi32> to vector<1xi32>
        %squeeze3A_104 = vector.extract %slice3A_103[0] : i32 from vector<1xi32>
        %mul3A_105 = arith.constant 16 : i32
        %mul3A_106 = arith.muli %scan3A_80, %mul3A_105 : i32
        %add3A_107 = arith.constant 1 : i32
        %add3A_108 = arith.addi %mul3A_106, %add3A_107 : i32
        %dma_start3A_109 = arith.constant 0 : i32
        %dma_start3A_110 = tpu.memref_slice %arg6[%rem3A_46, %add3A_108, %dma_start3A_109] : memref<2x256x64xf32, #tpu.memory_space<vmem>> -> memref<1x1x64xf32, #tpu.memory_space<vmem>>
        %dma_start3A_111 = tpu.memref_squeeze %dma_start3A_110 : memref<1x1x64xf32, #tpu.memory_space<vmem>> -> memref<1x64xf32, #tpu.memory_space<vmem>>
        %dma_start3A_112 = arith.constant 0 : i32
        %dma_start3A_113 = tpu.memref_slice %arg2[%squeeze3A_104, %dma_start3A_112] : memref<1000000x64xf32, #tpu.memory_space<hbm>> -> memref<1x64xf32, #tpu.memory_space<hbm>>
        %dma_start3A_114 = tpu.memref_slice %arg7[%rem3A_46] : memref<2x!tpu.dma_semaphore, #tpu.memory_space<semaphore_mem>> -> memref<1x!tpu.dma_semaphore, #tpu.memory_space<semaphore_mem>>
        %dma_start3A_115 = tpu.memref_squeeze %dma_start3A_114 : memref<1x!tpu.dma_semaphore, #tpu.memory_space<semaphore_mem>> -> memref<!tpu.dma_semaphore, #tpu.memory_space<semaphore_mem>>
        %dma_start3A_116 = arith.constant 0 : i32
        %dma_start3A_117 = tpu.memref_slice %arg6[%rem3A_46, %add3A_108, %dma_start3A_116] : memref<2x256x64xf32, #tpu.memory_space<vmem>> -> memref<1x1x64xf32, #tpu.memory_space<vmem>>
        %dma_start3A_118 = tpu.memref_squeeze %dma_start3A_117 : memref<1x1x64xf32, #tpu.memory_space<vmem>> -> memref<1x64xf32, #tpu.memory_space<vmem>>
        %dma_start3A_119 = arith.constant 0 : i32
        %dma_start3A_120 = tpu.memref_slice %arg2[%squeeze3A_104, %dma_start3A_119] : memref<1000000x64xf32, #tpu.memory_space<hbm>> -> memref<1x64xf32, #tpu.memory_space<hbm>>
        tpu.enqueue_dma source(%dma_start3A_120 : memref<1x64xf32, #tpu.memory_space<hbm>>) target(%dma_start3A_118 : memref<1x64xf32, #tpu.memory_space<vmem>>) target_semaphore(%dma_start3A_115 : memref<!tpu.dma_semaphore, #tpu.memory_space<semaphore_mem>>)
        %slice3A_121 = vector.extract_strided_slice %get3A_86 {offsets = [2], sizes = [1], strides = [1]} : vector<16xi32> to vector<1xi32>
        %squeeze3A_122 = vector.extract %slice3A_121[0] : i32 from vector<1xi32>
        %mul3A_123 = arith.constant 16 : i32
        %mul3A_124 = arith.muli %scan3A_80, %mul3A_123 : i32
        %add3A_125 = arith.constant 2 : i32
        %add3A_126 = arith.addi %mul3A_124, %add3A_125 : i32
        %dma_start3A_127 = arith.constant 0 : i32
        %dma_start3A_128 = tpu.memref_slice %arg6[%rem3A_46, %add3A_126, %dma_start3A_127] : memref<2x256x64xf32, #tpu.memory_space<vmem>> -> memref<1x1x64xf32, #tpu.memory_space<vmem>>
        %dma_start3A_129 = tpu.memref_squeeze %dma_start3A_128 : memref<1x1x64xf32, #tpu.memory_space<vmem>> -> memref<1x64xf32, #tpu.memory_space<vmem>>
        %dma_start3A_130 = arith.constant 0 : i32
        %dma_start3A_131 = tpu.memref_slice %arg2[%squeeze3A_122, %dma_start3A_130] : memref<1000000x64xf32, #tpu.memory_space<hbm>> -> memref<1x64xf32, #tpu.memory_space<hbm>>
        %dma_start3A_132 = tpu.memref_slice %arg7[%rem3A_46] : memref<2x!tpu.dma_semaphore, #tpu.memory_space<semaphore_mem>> -> memref<1x!tpu.dma_semaphore, #tpu.memory_space<semaphore_mem>>
        %dma_start3A_133 = tpu.memref_squeeze %dma_start3A_132 : memref<1x!tpu.dma_semaphore, #tpu.memory_space<semaphore_mem>> -> memref<!tpu.dma_semaphore, #tpu.memory_space<semaphore_mem>>
        %dma_start3A_134 = arith.constant 0 : i32
        %dma_start3A_135 = tpu.memref_slice %arg6[%rem3A_46, %add3A_126, %dma_start3A_134] : memref<2x256x64xf32, #tpu.memory_space<vmem>> -> memref<1x1x64xf32, #tpu.memory_space<vmem>>
        %dma_start3A_136 = tpu.memref_squeeze %dma_start3A_135 : memref<1x1x64xf32, #tpu.memory_space<vmem>> -> memref<1x64xf32, #tpu.memory_space<vmem>>
        %dma_start3A_137 = arith.constant 0 : i32
        %dma_start3A_138 = tpu.memref_slice %arg2[%squeeze3A_122, %dma_start3A_137] : memref<1000000x64xf32, #tpu.memory_space<hbm>> -> memref<1x64xf32, #tpu.memory_space<hbm>>
        tpu.enqueue_dma source(%dma_start3A_138 : memref<1x64xf32, #tpu.memory_space<hbm>>) target(%dma_start3A_136 : memref<1x64xf32, #tpu.memory_space<vmem>>) target_semaphore(%dma_start3A_133 : memref<!tpu.dma_semaphore, #tpu.memory_space<semaphore_mem>>)
        %slice3A_139 = vector.extract_strided_slice %get3A_86 {offsets = [3], sizes = [1], strides = [1]} : vector<16xi32> to vector<1xi32>
        %squeeze3A_140 = vector.extract %slice3A_139[0] : i32 from vector<1xi32>
        %mul3A_141 = arith.constant 16 : i32
        %mul3A_142 = arith.muli %scan3A_80, %mul3A_141 : i32
        %add3A_143 = arith.constant 3 : i32
        %add3A_144 = arith.addi %mul3A_142, %add3A_143 : i32
        %dma_start3A_145 = arith.constant 0 : i32
        %dma_start3A_146 = tpu.memref_slice %arg6[%rem3A_46, %add3A_144, %dma_start3A_145] : memref<2x256x64xf32, #tpu.memory_space<vmem>> -> memref<1x1x64xf32, #tpu.memory_space<vmem>>
        %dma_start3A_147 = tpu.memref_squeeze %dma_start3A_146 : memref<1x1x64xf32, #tpu.memory_space<vmem>> -> memref<1x64xf32, #tpu.memory_space<vmem>>
        %dma_start3A_148 = arith.constant 0 : i32
        %dma_start3A_149 = tpu.memref_slice %arg2[%squeeze3A_140, %dma_start3A_148] : memref<1000000x64xf32, #tpu.memory_space<hbm>> -> memref<1x64xf32, #tpu.memory_space<hbm>>
        %dma_start3A_150 = tpu.memref_slice %arg7[%rem3A_46] : memref<2x!tpu.dma_semaphore, #tpu.memory_space<semaphore_mem>> -> memref<1x!tpu.dma_semaphore, #tpu.memory_space<semaphore_mem>>
        %dma_start3A_151 = tpu.memref_squeeze %dma_start3A_150 : memref<1x!tpu.dma_semaphore, #tpu.memory_space<semaphore_mem>> -> memref<!tpu.dma_semaphore, #tpu.memory_space<semaphore_mem>>
        %dma_start3A_152 = arith.constant 0 : i32
        %dma_start3A_153 = tpu.memref_slice %arg6[%rem3A_46, %add3A_144, %dma_start3A_152] : memref<2x256x64xf32, #tpu.memory_space<vmem>> -> memref<1x1x64xf32, #tpu.memory_space<vmem>>
        %dma_start3A_154 = tpu.memref_squeeze %dma_start3A_153 : memref<1x1x64xf32, #tpu.memory_space<vmem>> -> memref<1x64xf32, #tpu.memory_space<vmem>>
        %dma_start3A_155 = arith.constant 0 : i32
        %dma_start3A_156 = tpu.memref_slice %arg2[%squeeze3A_140, %dma_start3A_155] : memref<1000000x64xf32, #tpu.memory_space<hbm>> -> memref<1x64xf32, #tpu.memory_space<hbm>>
        tpu.enqueue_dma source(%dma_start3A_156 : memref<1x64xf32, #tpu.memory_space<hbm>>) target(%dma_start3A_154 : memref<1x64xf32, #tpu.memory_space<vmem>>) target_semaphore(%dma_start3A_151 : memref<!tpu.dma_semaphore, #tpu.memory_space<semaphore_mem>>)
        %slice3A_157 = vector.extract_strided_slice %get3A_86 {offsets = [4], sizes = [1], strides = [1]} : vector<16xi32> to vector<1xi32>
        %squeeze3A_158 = vector.extract %slice3A_157[0] : i32 from vector<1xi32>
        %mul3A_159 = arith.constant 16 : i32
        %mul3A_160 = arith.muli %scan3A_80, %mul3A_159 : i32
        %add3A_161 = arith.constant 4 : i32
        %add3A_162 = arith.addi %mul3A_160, %add3A_161 : i32
        %dma_start3A_163 = arith.constant 0 : i32
        %dma_start3A_164 = tpu.memref_slice %arg6[%rem3A_46, %add3A_162, %dma_start3A_163] : memref<2x256x64xf32, #tpu.memory_space<vmem>> -> memref<1x1x64xf32, #tpu.memory_space<vmem>>
        %dma_start3A_165 = tpu.memref_squeeze %dma_start3A_164 : memref<1x1x64xf32, #tpu.memory_space<vmem>> -> memref<1x64xf32, #tpu.memory_space<vmem>>
        %dma_start3A_166 = arith.constant 0 : i32
        %dma_start3A_167 = tpu.memref_slice %arg2[%squeeze3A_158, %dma_start3A_166] : memref<1000000x64xf32, #tpu.memory_space<hbm>> -> memref<1x64xf32, #tpu.memory_space<hbm>>
        %dma_start3A_168 = tpu.memref_slice %arg7[%rem3A_46] : memref<2x!tpu.dma_semaphore, #tpu.memory_space<semaphore_mem>> -> memref<1x!tpu.dma_semaphore, #tpu.memory_space<semaphore_mem>>
        %dma_start3A_169 = tpu.memref_squeeze %dma_start3A_168 : memref<1x!tpu.dma_semaphore, #tpu.memory_space<semaphore_mem>> -> memref<!tpu.dma_semaphore, #tpu.memory_space<semaphore_mem>>
        %dma_start3A_170 = arith.constant 0 : i32
        %dma_start3A_171 = tpu.memref_slice %arg6[%rem3A_46, %add3A_162, %dma_start3A_170] : memref<2x256x64xf32, #tpu.memory_space<vmem>> -> memref<1x1x64xf32, #tpu.memory_space<vmem>>
        %dma_start3A_172 = tpu.memref_squeeze %dma_start3A_171 : memref<1x1x64xf32, #tpu.memory_space<vmem>> -> memref<1x64xf32, #tpu.memory_space<vmem>>
        %dma_start3A_173 = arith.constant 0 : i32
        %dma_start3A_174 = tpu.memref_slice %arg2[%squeeze3A_158, %dma_start3A_173] : memref<1000000x64xf32, #tpu.memory_space<hbm>> -> memref<1x64xf32, #tpu.memory_space<hbm>>
        tpu.enqueue_dma source(%dma_start3A_174 : memref<1x64xf32, #tpu.memory_space<hbm>>) target(%dma_start3A_172 : memref<1x64xf32, #tpu.memory_space<vmem>>) target_semaphore(%dma_start3A_169 : memref<!tpu.dma_semaphore, #tpu.memory_space<semaphore_mem>>)
        %slice3A_175 = vector.extract_strided_slice %get3A_86 {offsets = [5], sizes = [1], strides = [1]} : vector<16xi32> to vector<1xi32>
        %squeeze3A_176 = vector.extract %slice3A_175[0] : i32 from vector<1xi32>
        %mul3A_177 = arith.constant 16 : i32
        %mul3A_178 = arith.muli %scan3A_80, %mul3A_177 : i32
        %add3A_179 = arith.constant 5 : i32
        %add3A_180 = arith.addi %mul3A_178, %add3A_179 : i32
        %dma_start3A_181 = arith.constant 0 : i32
        %dma_start3A_182 = tpu.memref_slice %arg6[%rem3A_46, %add3A_180, %dma_start3A_181] : memref<2x256x64xf32, #tpu.memory_space<vmem>> -> memref<1x1x64xf32, #tpu.memory_space<vmem>>
        %dma_start3A_183 = tpu.memref_squeeze %dma_start3A_182 : memref<1x1x64xf32, #tpu.memory_space<vmem>> -> memref<1x64xf32, #tpu.memory_space<vmem>>
        %dma_start3A_184 = arith.constant 0 : i32
        %dma_start3A_185 = tpu.memref_slice %arg2[%squeeze3A_176, %dma_start3A_184] : memref<1000000x64xf32, #tpu.memory_space<hbm>> -> memref<1x64xf32, #tpu.memory_space<hbm>>
        %dma_start3A_186 = tpu.memref_slice %arg7[%rem3A_46] : memref<2x!tpu.dma_semaphore, #tpu.memory_space<semaphore_mem>> -> memref<1x!tpu.dma_semaphore, #tpu.memory_space<semaphore_mem>>
        %dma_start3A_187 = tpu.memref_squeeze %dma_start3A_186 : memref<1x!tpu.dma_semaphore, #tpu.memory_space<semaphore_mem>> -> memref<!tpu.dma_semaphore, #tpu.memory_space<semaphore_mem>>
        %dma_start3A_188 = arith.constant 0 : i32
        %dma_start3A_189 = tpu.memref_slice %arg6[%rem3A_46, %add3A_180, %dma_start3A_188] : memref<2x256x64xf32, #tpu.memory_space<vmem>> -> memref<1x1x64xf32, #tpu.memory_space<vmem>>
        %dma_start3A_190 = tpu.memref_squeeze %dma_start3A_189 : memref<1x1x64xf32, #tpu.memory_space<vmem>> -> memref<1x64xf32, #tpu.memory_space<vmem>>
        %dma_start3A_191 = arith.constant 0 : i32
        %dma_start3A_192 = tpu.memref_slice %arg2[%squeeze3A_176, %dma_start3A_191] : memref<1000000x64xf32, #tpu.memory_space<hbm>> -> memref<1x64xf32, #tpu.memory_space<hbm>>
        tpu.enqueue_dma source(%dma_start3A_192 : memref<1x64xf32, #tpu.memory_space<hbm>>) target(%dma_start3A_190 : memref<1x64xf32, #tpu.memory_space<vmem>>) target_semaphore(%dma_start3A_187 : memref<!tpu.dma_semaphore, #tpu.memory_space<semaphore_mem>>)
        %slice3A_193 = vector.extract_strided_slice %get3A_86 {offsets = [6], sizes = [1], strides = [1]} : vector<16xi32> to vector<1xi32>
        %squeeze3A_194 = vector.extract %slice3A_193[0] : i32 from vector<1xi32>
        %mul3A_195 = arith.constant 16 : i32
        %mul3A_196 = arith.muli %scan3A_80, %mul3A_195 : i32
        %add3A_197 = arith.constant 6 : i32
        %add3A_198 = arith.addi %mul3A_196, %add3A_197 : i32
        %dma_start3A_199 = arith.constant 0 : i32
        %dma_start3A_200 = tpu.memref_slice %arg6[%rem3A_46, %add3A_198, %dma_start3A_199] : memref<2x256x64xf32, #tpu.memory_space<vmem>> -> memref<1x1x64xf32, #tpu.memory_space<vmem>>
        %dma_start3A_201 = tpu.memref_squeeze %dma_start3A_200 : memref<1x1x64xf32, #tpu.memory_space<vmem>> -> memref<1x64xf32, #tpu.memory_space<vmem>>
        %dma_start3A_202 = arith.constant 0 : i32
        %dma_start3A_203 = tpu.memref_slice %arg2[%squeeze3A_194, %dma_start3A_202] : memref<1000000x64xf32, #tpu.memory_space<hbm>> -> memref<1x64xf32, #tpu.memory_space<hbm>>
        %dma_start3A_204 = tpu.memref_slice %arg7[%rem3A_46] : memref<2x!tpu.dma_semaphore, #tpu.memory_space<semaphore_mem>> -> memref<1x!tpu.dma_semaphore, #tpu.memory_space<semaphore_mem>>
        %dma_start3A_205 = tpu.memref_squeeze %dma_start3A_204 : memref<1x!tpu.dma_semaphore, #tpu.memory_space<semaphore_mem>> -> memref<!tpu.dma_semaphore, #tpu.memory_space<semaphore_mem>>
        %dma_start3A_206 = arith.constant 0 : i32
        %dma_start3A_207 = tpu.memref_slice %arg6[%rem3A_46, %add3A_198, %dma_start3A_206] : memref<2x256x64xf32, #tpu.memory_space<vmem>> -> memref<1x1x64xf32, #tpu.memory_space<vmem>>
        %dma_start3A_208 = tpu.memref_squeeze %dma_start3A_207 : memref<1x1x64xf32, #tpu.memory_space<vmem>> -> memref<1x64xf32, #tpu.memory_space<vmem>>
        %dma_start3A_209 = arith.constant 0 : i32
        %dma_start3A_210 = tpu.memref_slice %arg2[%squeeze3A_194, %dma_start3A_209] : memref<1000000x64xf32, #tpu.memory_space<hbm>> -> memref<1x64xf32, #tpu.memory_space<hbm>>
        tpu.enqueue_dma source(%dma_start3A_210 : memref<1x64xf32, #tpu.memory_space<hbm>>) target(%dma_start3A_208 : memref<1x64xf32, #tpu.memory_space<vmem>>) target_semaphore(%dma_start3A_205 : memref<!tpu.dma_semaphore, #tpu.memory_space<semaphore_mem>>)
        %slice3A_211 = vector.extract_strided_slice %get3A_86 {offsets = [7], sizes = [1], strides = [1]} : vector<16xi32> to vector<1xi32>
        %squeeze3A_212 = vector.extract %slice3A_211[0] : i32 from vector<1xi32>
        %mul3A_213 = arith.constant 16 : i32
        %mul3A_214 = arith.muli %scan3A_80, %mul3A_213 : i32
        %add3A_215 = arith.constant 7 : i32
        %add3A_216 = arith.addi %mul3A_214, %add3A_215 : i32
        %dma_start3A_217 = arith.constant 0 : i32
        %dma_start3A_218 = tpu.memref_slice %arg6[%rem3A_46, %add3A_216, %dma_start3A_217] : memref<2x256x64xf32, #tpu.memory_space<vmem>> -> memref<1x1x64xf32, #tpu.memory_space<vmem>>
        %dma_start3A_219 = tpu.memref_squeeze %dma_start3A_218 : memref<1x1x64xf32, #tpu.memory_space<vmem>> -> memref<1x64xf32, #tpu.memory_space<vmem>>
        %dma_start3A_220 = arith.constant 0 : i32
        %dma_start3A_221 = tpu.memref_slice %arg2[%squeeze3A_212, %dma_start3A_220] : memref<1000000x64xf32, #tpu.memory_space<hbm>> -> memref<1x64xf32, #tpu.memory_space<hbm>>
        %dma_start3A_222 = tpu.memref_slice %arg7[%rem3A_46] : memref<2x!tpu.dma_semaphore, #tpu.memory_space<semaphore_mem>> -> memref<1x!tpu.dma_semaphore, #tpu.memory_space<semaphore_mem>>
        %dma_start3A_223 = tpu.memref_squeeze %dma_start3A_222 : memref<1x!tpu.dma_semaphore, #tpu.memory_space<semaphore_mem>> -> memref<!tpu.dma_semaphore, #tpu.memory_space<semaphore_mem>>
        %dma_start3A_224 = arith.constant 0 : i32
        %dma_start3A_225 = tpu.memref_slice %arg6[%rem3A_46, %add3A_216, %dma_start3A_224] : memref<2x256x64xf32, #tpu.memory_space<vmem>> -> memref<1x1x64xf32, #tpu.memory_space<vmem>>
        %dma_start3A_226 = tpu.memref_squeeze %dma_start3A_225 : memref<1x1x64xf32, #tpu.memory_space<vmem>> -> memref<1x64xf32, #tpu.memory_space<vmem>>
        %dma_start3A_227 = arith.constant 0 : i32
        %dma_start3A_228 = tpu.memref_slice %arg2[%squeeze3A_212, %dma_start3A_227] : memref<1000000x64xf32, #tpu.memory_space<hbm>> -> memref<1x64xf32, #tpu.memory_space<hbm>>
        tpu.enqueue_dma source(%dma_start3A_228 : memref<1x64xf32, #tpu.memory_space<hbm>>) target(%dma_start3A_226 : memref<1x64xf32, #tpu.memory_space<vmem>>) target_semaphore(%dma_start3A_223 : memref<!tpu.dma_semaphore, #tpu.memory_space<semaphore_mem>>)
        %slice3A_229 = vector.extract_strided_slice %get3A_86 {offsets = [8], sizes = [1], strides = [1]} : vector<16xi32> to vector<1xi32>
        %squeeze3A_230 = vector.extract %slice3A_229[0] : i32 from vector<1xi32>
        %mul3A_231 = arith.constant 16 : i32
        %mul3A_232 = arith.muli %scan3A_80, %mul3A_231 : i32
        %add3A_233 = arith.constant 8 : i32
        %add3A_234 = arith.addi %mul3A_232, %add3A_233 : i32
        %dma_start3A_235 = arith.constant 0 : i32
        %dma_start3A_236 = tpu.memref_slice %arg6[%rem3A_46, %add3A_234, %dma_start3A_235] : memref<2x256x64xf32, #tpu.memory_space<vmem>> -> memref<1x1x64xf32, #tpu.memory_space<vmem>>
        %dma_start3A_237 = tpu.memref_squeeze %dma_start3A_236 : memref<1x1x64xf32, #tpu.memory_space<vmem>> -> memref<1x64xf32, #tpu.memory_space<vmem>>
        %dma_start3A_238 = arith.constant 0 : i32
        %dma_start3A_239 = tpu.memref_slice %arg2[%squeeze3A_230, %dma_start3A_238] : memref<1000000x64xf32, #tpu.memory_space<hbm>> -> memref<1x64xf32, #tpu.memory_space<hbm>>
        %dma_start3A_240 = tpu.memref_slice %arg7[%rem3A_46] : memref<2x!tpu.dma_semaphore, #tpu.memory_space<semaphore_mem>> -> memref<1x!tpu.dma_semaphore, #tpu.memory_space<semaphore_mem>>
        %dma_start3A_241 = tpu.memref_squeeze %dma_start3A_240 : memref<1x!tpu.dma_semaphore, #tpu.memory_space<semaphore_mem>> -> memref<!tpu.dma_semaphore, #tpu.memory_space<semaphore_mem>>
        %dma_start3A_242 = arith.constant 0 : i32
        %dma_start3A_243 = tpu.memref_slice %arg6[%rem3A_46, %add3A_234, %dma_start3A_242] : memref<2x256x64xf32, #tpu.memory_space<vmem>> -> memref<1x1x64xf32, #tpu.memory_space<vmem>>
        %dma_start3A_244 = tpu.memref_squeeze %dma_start3A_243 : memref<1x1x64xf32, #tpu.memory_space<vmem>> -> memref<1x64xf32, #tpu.memory_space<vmem>>
        %dma_start3A_245 = arith.constant 0 : i32
        %dma_start3A_246 = tpu.memref_slice %arg2[%squeeze3A_230, %dma_start3A_245] : memref<1000000x64xf32, #tpu.memory_space<hbm>> -> memref<1x64xf32, #tpu.memory_space<hbm>>
        tpu.enqueue_dma source(%dma_start3A_246 : memref<1x64xf32, #tpu.memory_space<hbm>>) target(%dma_start3A_244 : memref<1x64xf32, #tpu.memory_space<vmem>>) target_semaphore(%dma_start3A_241 : memref<!tpu.dma_semaphore, #tpu.memory_space<semaphore_mem>>)
        %slice3A_247 = vector.extract_strided_slice %get3A_86 {offsets = [9], sizes = [1], strides = [1]} : vector<16xi32> to vector<1xi32>
        %squeeze3A_248 = vector.extract %slice3A_247[0] : i32 from vector<1xi32>
        %mul3A_249 = arith.constant 16 : i32
        %mul3A_250 = arith.muli %scan3A_80, %mul3A_249 : i32
        %add3A_251 = arith.constant 9 : i32
        %add3A_252 = arith.addi %mul3A_250, %add3A_251 : i32
        %dma_start3A_253 = arith.constant 0 : i32
        %dma_start3A_254 = tpu.memref_slice %arg6[%rem3A_46, %add3A_252, %dma_start3A_253] : memref<2x256x64xf32, #tpu.memory_space<vmem>> -> memref<1x1x64xf32, #tpu.memory_space<vmem>>
        %dma_start3A_255 = tpu.memref_squeeze %dma_start3A_254 : memref<1x1x64xf32, #tpu.memory_space<vmem>> -> memref<1x64xf32, #tpu.memory_space<vmem>>
        %dma_start3A_256 = arith.constant 0 : i32
        %dma_start3A_257 = tpu.memref_slice %arg2[%squeeze3A_248, %dma_start3A_256] : memref<1000000x64xf32, #tpu.memory_space<hbm>> -> memref<1x64xf32, #tpu.memory_space<hbm>>
        %dma_start3A_258 = tpu.memref_slice %arg7[%rem3A_46] : memref<2x!tpu.dma_semaphore, #tpu.memory_space<semaphore_mem>> -> memref<1x!tpu.dma_semaphore, #tpu.memory_space<semaphore_mem>>
        %dma_start3A_259 = tpu.memref_squeeze %dma_start3A_258 : memref<1x!tpu.dma_semaphore, #tpu.memory_space<semaphore_mem>> -> memref<!tpu.dma_semaphore, #tpu.memory_space<semaphore_mem>>
        %dma_start3A_260 = arith.constant 0 : i32
        %dma_start3A_261 = tpu.memref_slice %arg6[%rem3A_46, %add3A_252, %dma_start3A_260] : memref<2x256x64xf32, #tpu.memory_space<vmem>> -> memref<1x1x64xf32, #tpu.memory_space<vmem>>
        %dma_start3A_262 = tpu.memref_squeeze %dma_start3A_261 : memref<1x1x64xf32, #tpu.memory_space<vmem>> -> memref<1x64xf32, #tpu.memory_space<vmem>>
        %dma_start3A_263 = arith.constant 0 : i32
        %dma_start3A_264 = tpu.memref_slice %arg2[%squeeze3A_248, %dma_start3A_263] : memref<1000000x64xf32, #tpu.memory_space<hbm>> -> memref<1x64xf32, #tpu.memory_space<hbm>>
        tpu.enqueue_dma source(%dma_start3A_264 : memref<1x64xf32, #tpu.memory_space<hbm>>) target(%dma_start3A_262 : memref<1x64xf32, #tpu.memory_space<vmem>>) target_semaphore(%dma_start3A_259 : memref<!tpu.dma_semaphore, #tpu.memory_space<semaphore_mem>>)
        %slice3A_265 = vector.extract_strided_slice %get3A_86 {offsets = [10], sizes = [1], strides = [1]} : vector<16xi32> to vector<1xi32>
        %squeeze3A_266 = vector.extract %slice3A_265[0] : i32 from vector<1xi32>
        %mul3A_267 = arith.constant 16 : i32
        %mul3A_268 = arith.muli %scan3A_80, %mul3A_267 : i32
        %add3A_269 = arith.constant 10 : i32
        %add3A_270 = arith.addi %mul3A_268, %add3A_269 : i32
        %dma_start3A_271 = arith.constant 0 : i32
        %dma_start3A_272 = tpu.memref_slice %arg6[%rem3A_46, %add3A_270, %dma_start3A_271] : memref<2x256x64xf32, #tpu.memory_space<vmem>> -> memref<1x1x64xf32, #tpu.memory_space<vmem>>
        %dma_start3A_273 = tpu.memref_squeeze %dma_start3A_272 : memref<1x1x64xf32, #tpu.memory_space<vmem>> -> memref<1x64xf32, #tpu.memory_space<vmem>>
        %dma_start3A_274 = arith.constant 0 : i32
        %dma_start3A_275 = tpu.memref_slice %arg2[%squeeze3A_266, %dma_start3A_274] : memref<1000000x64xf32, #tpu.memory_space<hbm>> -> memref<1x64xf32, #tpu.memory_space<hbm>>
        %dma_start3A_276 = tpu.memref_slice %arg7[%rem3A_46] : memref<2x!tpu.dma_semaphore, #tpu.memory_space<semaphore_mem>> -> memref<1x!tpu.dma_semaphore, #tpu.memory_space<semaphore_mem>>
        %dma_start3A_277 = tpu.memref_squeeze %dma_start3A_276 : memref<1x!tpu.dma_semaphore, #tpu.memory_space<semaphore_mem>> -> memref<!tpu.dma_semaphore, #tpu.memory_space<semaphore_mem>>
        %dma_start3A_278 = arith.constant 0 : i32
        %dma_start3A_279 = tpu.memref_slice %arg6[%rem3A_46, %add3A_270, %dma_start3A_278] : memref<2x256x64xf32, #tpu.memory_space<vmem>> -> memref<1x1x64xf32, #tpu.memory_space<vmem>>
        %dma_start3A_280 = tpu.memref_squeeze %dma_start3A_279 : memref<1x1x64xf32, #tpu.memory_space<vmem>> -> memref<1x64xf32, #tpu.memory_space<vmem>>
        %dma_start3A_281 = arith.constant 0 : i32
        %dma_start3A_282 = tpu.memref_slice %arg2[%squeeze3A_266, %dma_start3A_281] : memref<1000000x64xf32, #tpu.memory_space<hbm>> -> memref<1x64xf32, #tpu.memory_space<hbm>>
        tpu.enqueue_dma source(%dma_start3A_282 : memref<1x64xf32, #tpu.memory_space<hbm>>) target(%dma_start3A_280 : memref<1x64xf32, #tpu.memory_space<vmem>>) target_semaphore(%dma_start3A_277 : memref<!tpu.dma_semaphore, #tpu.memory_space<semaphore_mem>>)
        %slice3A_283 = vector.extract_strided_slice %get3A_86 {offsets = [11], sizes = [1], strides = [1]} : vector<16xi32> to vector<1xi32>
        %squeeze3A_284 = vector.extract %slice3A_283[0] : i32 from vector<1xi32>
        %mul3A_285 = arith.constant 16 : i32
        %mul3A_286 = arith.muli %scan3A_80, %mul3A_285 : i32
        %add3A_287 = arith.constant 11 : i32
        %add3A_288 = arith.addi %mul3A_286, %add3A_287 : i32
        %dma_start3A_289 = arith.constant 0 : i32
        %dma_start3A_290 = tpu.memref_slice %arg6[%rem3A_46, %add3A_288, %dma_start3A_289] : memref<2x256x64xf32, #tpu.memory_space<vmem>> -> memref<1x1x64xf32, #tpu.memory_space<vmem>>
        %dma_start3A_291 = tpu.memref_squeeze %dma_start3A_290 : memref<1x1x64xf32, #tpu.memory_space<vmem>> -> memref<1x64xf32, #tpu.memory_space<vmem>>
        %dma_start3A_292 = arith.constant 0 : i32
        %dma_start3A_293 = tpu.memref_slice %arg2[%squeeze3A_284, %dma_start3A_292] : memref<1000000x64xf32, #tpu.memory_space<hbm>> -> memref<1x64xf32, #tpu.memory_space<hbm>>
        %dma_start3A_294 = tpu.memref_slice %arg7[%rem3A_46] : memref<2x!tpu.dma_semaphore, #tpu.memory_space<semaphore_mem>> -> memref<1x!tpu.dma_semaphore, #tpu.memory_space<semaphore_mem>>
        %dma_start3A_295 = tpu.memref_squeeze %dma_start3A_294 : memref<1x!tpu.dma_semaphore, #tpu.memory_space<semaphore_mem>> -> memref<!tpu.dma_semaphore, #tpu.memory_space<semaphore_mem>>
        %dma_start3A_296 = arith.constant 0 : i32
        %dma_start3A_297 = tpu.memref_slice %arg6[%rem3A_46, %add3A_288, %dma_start3A_296] : memref<2x256x64xf32, #tpu.memory_space<vmem>> -> memref<1x1x64xf32, #tpu.memory_space<vmem>>
        %dma_start3A_298 = tpu.memref_squeeze %dma_start3A_297 : memref<1x1x64xf32, #tpu.memory_space<vmem>> -> memref<1x64xf32, #tpu.memory_space<vmem>>
        %dma_start3A_299 = arith.constant 0 : i32
        %dma_start3A_300 = tpu.memref_slice %arg2[%squeeze3A_284, %dma_start3A_299] : memref<1000000x64xf32, #tpu.memory_space<hbm>> -> memref<1x64xf32, #tpu.memory_space<hbm>>
        tpu.enqueue_dma source(%dma_start3A_300 : memref<1x64xf32, #tpu.memory_space<hbm>>) target(%dma_start3A_298 : memref<1x64xf32, #tpu.memory_space<vmem>>) target_semaphore(%dma_start3A_295 : memref<!tpu.dma_semaphore, #tpu.memory_space<semaphore_mem>>)
        %slice3A_301 = vector.extract_strided_slice %get3A_86 {offsets = [12], sizes = [1], strides = [1]} : vector<16xi32> to vector<1xi32>
        %squeeze3A_302 = vector.extract %slice3A_301[0] : i32 from vector<1xi32>
        %mul3A_303 = arith.constant 16 : i32
        %mul3A_304 = arith.muli %scan3A_80, %mul3A_303 : i32
        %add3A_305 = arith.constant 12 : i32
        %add3A_306 = arith.addi %mul3A_304, %add3A_305 : i32
        %dma_start3A_307 = arith.constant 0 : i32
        %dma_start3A_308 = tpu.memref_slice %arg6[%rem3A_46, %add3A_306, %dma_start3A_307] : memref<2x256x64xf32, #tpu.memory_space<vmem>> -> memref<1x1x64xf32, #tpu.memory_space<vmem>>
        %dma_start3A_309 = tpu.memref_squeeze %dma_start3A_308 : memref<1x1x64xf32, #tpu.memory_space<vmem>> -> memref<1x64xf32, #tpu.memory_space<vmem>>
        %dma_start3A_310 = arith.constant 0 : i32
        %dma_start3A_311 = tpu.memref_slice %arg2[%squeeze3A_302, %dma_start3A_310] : memref<1000000x64xf32, #tpu.memory_space<hbm>> -> memref<1x64xf32, #tpu.memory_space<hbm>>
        %dma_start3A_312 = tpu.memref_slice %arg7[%rem3A_46] : memref<2x!tpu.dma_semaphore, #tpu.memory_space<semaphore_mem>> -> memref<1x!tpu.dma_semaphore, #tpu.memory_space<semaphore_mem>>
        %dma_start3A_313 = tpu.memref_squeeze %dma_start3A_312 : memref<1x!tpu.dma_semaphore, #tpu.memory_space<semaphore_mem>> -> memref<!tpu.dma_semaphore, #tpu.memory_space<semaphore_mem>>
        %dma_start3A_314 = arith.constant 0 : i32
        %dma_start3A_315 = tpu.memref_slice %arg6[%rem3A_46, %add3A_306, %dma_start3A_314] : memref<2x256x64xf32, #tpu.memory_space<vmem>> -> memref<1x1x64xf32, #tpu.memory_space<vmem>>
        %dma_start3A_316 = tpu.memref_squeeze %dma_start3A_315 : memref<1x1x64xf32, #tpu.memory_space<vmem>> -> memref<1x64xf32, #tpu.memory_space<vmem>>
        %dma_start3A_317 = arith.constant 0 : i32
        %dma_start3A_318 = tpu.memref_slice %arg2[%squeeze3A_302, %dma_start3A_317] : memref<1000000x64xf32, #tpu.memory_space<hbm>> -> memref<1x64xf32, #tpu.memory_space<hbm>>
        tpu.enqueue_dma source(%dma_start3A_318 : memref<1x64xf32, #tpu.memory_space<hbm>>) target(%dma_start3A_316 : memref<1x64xf32, #tpu.memory_space<vmem>>) target_semaphore(%dma_start3A_313 : memref<!tpu.dma_semaphore, #tpu.memory_space<semaphore_mem>>)
        %slice3A_319 = vector.extract_strided_slice %get3A_86 {offsets = [13], sizes = [1], strides = [1]} : vector<16xi32> to vector<1xi32>
        %squeeze3A_320 = vector.extract %slice3A_319[0] : i32 from vector<1xi32>
        %mul3A_321 = arith.constant 16 : i32
        %mul3A_322 = arith.muli %scan3A_80, %mul3A_321 : i32
        %add3A_323 = arith.constant 13 : i32
        %add3A_324 = arith.addi %mul3A_322, %add3A_323 : i32
        %dma_start3A_325 = arith.constant 0 : i32
        %dma_start3A_326 = tpu.memref_slice %arg6[%rem3A_46, %add3A_324, %dma_start3A_325] : memref<2x256x64xf32, #tpu.memory_space<vmem>> -> memref<1x1x64xf32, #tpu.memory_space<vmem>>
        %dma_start3A_327 = tpu.memref_squeeze %dma_start3A_326 : memref<1x1x64xf32, #tpu.memory_space<vmem>> -> memref<1x64xf32, #tpu.memory_space<vmem>>
        %dma_start3A_328 = arith.constant 0 : i32
        %dma_start3A_329 = tpu.memref_slice %arg2[%squeeze3A_320, %dma_start3A_328] : memref<1000000x64xf32, #tpu.memory_space<hbm>> -> memref<1x64xf32, #tpu.memory_space<hbm>>
        %dma_start3A_330 = tpu.memref_slice %arg7[%rem3A_46] : memref<2x!tpu.dma_semaphore, #tpu.memory_space<semaphore_mem>> -> memref<1x!tpu.dma_semaphore, #tpu.memory_space<semaphore_mem>>
        %dma_start3A_331 = tpu.memref_squeeze %dma_start3A_330 : memref<1x!tpu.dma_semaphore, #tpu.memory_space<semaphore_mem>> -> memref<!tpu.dma_semaphore, #tpu.memory_space<semaphore_mem>>
        %dma_start3A_332 = arith.constant 0 : i32
        %dma_start3A_333 = tpu.memref_slice %arg6[%rem3A_46, %add3A_324, %dma_start3A_332] : memref<2x256x64xf32, #tpu.memory_space<vmem>> -> memref<1x1x64xf32, #tpu.memory_space<vmem>>
        %dma_start3A_334 = tpu.memref_squeeze %dma_start3A_333 : memref<1x1x64xf32, #tpu.memory_space<vmem>> -> memref<1x64xf32, #tpu.memory_space<vmem>>
        %dma_start3A_335 = arith.constant 0 : i32
        %dma_start3A_336 = tpu.memref_slice %arg2[%squeeze3A_320, %dma_start3A_335] : memref<1000000x64xf32, #tpu.memory_space<hbm>> -> memref<1x64xf32, #tpu.memory_space<hbm>>
        tpu.enqueue_dma source(%dma_start3A_336 : memref<1x64xf32, #tpu.memory_space<hbm>>) target(%dma_start3A_334 : memref<1x64xf32, #tpu.memory_space<vmem>>) target_semaphore(%dma_start3A_331 : memref<!tpu.dma_semaphore, #tpu.memory_space<semaphore_mem>>)
        %slice3A_337 = vector.extract_strided_slice %get3A_86 {offsets = [14], sizes = [1], strides = [1]} : vector<16xi32> to vector<1xi32>
        %squeeze3A_338 = vector.extract %slice3A_337[0] : i32 from vector<1xi32>
        %mul3A_339 = arith.constant 16 : i32
        %mul3A_340 = arith.muli %scan3A_80, %mul3A_339 : i32
        %add3A_341 = arith.constant 14 : i32
        %add3A_342 = arith.addi %mul3A_340, %add3A_341 : i32
        %dma_start3A_343 = arith.constant 0 : i32
        %dma_start3A_344 = tpu.memref_slice %arg6[%rem3A_46, %add3A_342, %dma_start3A_343] : memref<2x256x64xf32, #tpu.memory_space<vmem>> -> memref<1x1x64xf32, #tpu.memory_space<vmem>>
        %dma_start3A_345 = tpu.memref_squeeze %dma_start3A_344 : memref<1x1x64xf32, #tpu.memory_space<vmem>> -> memref<1x64xf32, #tpu.memory_space<vmem>>
        %dma_start3A_346 = arith.constant 0 : i32
        %dma_start3A_347 = tpu.memref_slice %arg2[%squeeze3A_338, %dma_start3A_346] : memref<1000000x64xf32, #tpu.memory_space<hbm>> -> memref<1x64xf32, #tpu.memory_space<hbm>>
        %dma_start3A_348 = tpu.memref_slice %arg7[%rem3A_46] : memref<2x!tpu.dma_semaphore, #tpu.memory_space<semaphore_mem>> -> memref<1x!tpu.dma_semaphore, #tpu.memory_space<semaphore_mem>>
        %dma_start3A_349 = tpu.memref_squeeze %dma_start3A_348 : memref<1x!tpu.dma_semaphore, #tpu.memory_space<semaphore_mem>> -> memref<!tpu.dma_semaphore, #tpu.memory_space<semaphore_mem>>
        %dma_start3A_350 = arith.constant 0 : i32
        %dma_start3A_351 = tpu.memref_slice %arg6[%rem3A_46, %add3A_342, %dma_start3A_350] : memref<2x256x64xf32, #tpu.memory_space<vmem>> -> memref<1x1x64xf32, #tpu.memory_space<vmem>>
        %dma_start3A_352 = tpu.memref_squeeze %dma_start3A_351 : memref<1x1x64xf32, #tpu.memory_space<vmem>> -> memref<1x64xf32, #tpu.memory_space<vmem>>
        %dma_start3A_353 = arith.constant 0 : i32
        %dma_start3A_354 = tpu.memref_slice %arg2[%squeeze3A_338, %dma_start3A_353] : memref<1000000x64xf32, #tpu.memory_space<hbm>> -> memref<1x64xf32, #tpu.memory_space<hbm>>
        tpu.enqueue_dma source(%dma_start3A_354 : memref<1x64xf32, #tpu.memory_space<hbm>>) target(%dma_start3A_352 : memref<1x64xf32, #tpu.memory_space<vmem>>) target_semaphore(%dma_start3A_349 : memref<!tpu.dma_semaphore, #tpu.memory_space<semaphore_mem>>)
        %slice3A_355 = vector.extract_strided_slice %get3A_86 {offsets = [15], sizes = [1], strides = [1]} : vector<16xi32> to vector<1xi32>
        %squeeze3A_356 = vector.extract %slice3A_355[0] : i32 from vector<1xi32>
        %mul3A_357 = arith.constant 16 : i32
        %mul3A_358 = arith.muli %scan3A_80, %mul3A_357 : i32
        %add3A_359 = arith.constant 15 : i32
        %add3A_360 = arith.addi %mul3A_358, %add3A_359 : i32
        %dma_start3A_361 = arith.constant 0 : i32
        %dma_start3A_362 = tpu.memref_slice %arg6[%rem3A_46, %add3A_360, %dma_start3A_361] : memref<2x256x64xf32, #tpu.memory_space<vmem>> -> memref<1x1x64xf32, #tpu.memory_space<vmem>>
        %dma_start3A_363 = tpu.memref_squeeze %dma_start3A_362 : memref<1x1x64xf32, #tpu.memory_space<vmem>> -> memref<1x64xf32, #tpu.memory_space<vmem>>
        %dma_start3A_364 = arith.constant 0 : i32
        %dma_start3A_365 = tpu.memref_slice %arg2[%squeeze3A_356, %dma_start3A_364] : memref<1000000x64xf32, #tpu.memory_space<hbm>> -> memref<1x64xf32, #tpu.memory_space<hbm>>
        %dma_start3A_366 = tpu.memref_slice %arg7[%rem3A_46] : memref<2x!tpu.dma_semaphore, #tpu.memory_space<semaphore_mem>> -> memref<1x!tpu.dma_semaphore, #tpu.memory_space<semaphore_mem>>
        %dma_start3A_367 = tpu.memref_squeeze %dma_start3A_366 : memref<1x!tpu.dma_semaphore, #tpu.memory_space<semaphore_mem>> -> memref<!tpu.dma_semaphore, #tpu.memory_space<semaphore_mem>>
        %dma_start3A_368 = arith.constant 0 : i32
        %dma_start3A_369 = tpu.memref_slice %arg6[%rem3A_46, %add3A_360, %dma_start3A_368] : memref<2x256x64xf32, #tpu.memory_space<vmem>> -> memref<1x1x64xf32, #tpu.memory_space<vmem>>
        %dma_start3A_370 = tpu.memref_squeeze %dma_start3A_369 : memref<1x1x64xf32, #tpu.memory_space<vmem>> -> memref<1x64xf32, #tpu.memory_space<vmem>>
        %dma_start3A_371 = arith.constant 0 : i32
        %dma_start3A_372 = tpu.memref_slice %arg2[%squeeze3A_356, %dma_start3A_371] : memref<1000000x64xf32, #tpu.memory_space<hbm>> -> memref<1x64xf32, #tpu.memory_space<hbm>>
        tpu.enqueue_dma source(%dma_start3A_372 : memref<1x64xf32, #tpu.memory_space<hbm>>) target(%dma_start3A_370 : memref<1x64xf32, #tpu.memory_space<vmem>>) target_semaphore(%dma_start3A_367 : memref<!tpu.dma_semaphore, #tpu.memory_space<semaphore_mem>>)
        %scan3A_373 = arith.constant 0 : i32
        scf.yield %scan3A_373 : i32
      }
      %scan3A_55 = arith.constant 16 : i32
      %scan3A_56 = arith.constant 0 : i32
      %scan3A_57 = arith.constant 0 : i32
      %scan3A_58 = arith.constant 256 : i32
      %scan3A_59 = arith.addi %scan3A_57, %scan3A_58 : i32
      %scan3A_60 = arith.constant 1 : i32
      %scan3A_61 = scf.for %scan3A_80 = %scan3A_57 to %scan3A_59 step %scan3A_60 iter_args(%scan3A_81 = %scan3A_56) -> (i32)  : i32 {
        %dma_wait3A_82 = arith.constant 0 : i32
        %dma_wait3A_83 = arith.constant 0 : i32
        %dma_wait3A_84 = tpu.memref_slice %arg6[%rem3A_46, %dma_wait3A_82, %dma_wait3A_83] : memref<2x256x64xf32, #tpu.memory_space<vmem>> -> memref<1x1x64xf32, #tpu.memory_space<vmem>>
        %dma_wait3A_85 = tpu.memref_squeeze %dma_wait3A_84 : memref<1x1x64xf32, #tpu.memory_space<vmem>> -> memref<1x64xf32, #tpu.memory_space<vmem>>
        %dma_wait3A_86 = arith.constant 0 : i32
        %dma_wait3A_87 = arith.constant 0 : i32
        %dma_wait3A_88 = tpu.memref_slice %arg2[%dma_wait3A_86, %dma_wait3A_87] : memref<1000000x64xf32, #tpu.memory_space<hbm>> -> memref<1x64xf32, #tpu.memory_space<hbm>>
        %dma_wait3A_89 = tpu.memref_slice %arg7[%rem3A_46] : memref<2x!tpu.dma_semaphore, #tpu.memory_space<semaphore_mem>> -> memref<1x!tpu.dma_semaphore, #tpu.memory_space<semaphore_mem>>
        %dma_wait3A_90 = tpu.memref_squeeze %dma_wait3A_89 : memref<1x!tpu.dma_semaphore, #tpu.memory_space<semaphore_mem>> -> memref<!tpu.dma_semaphore, #tpu.memory_space<semaphore_mem>>
        %dma_wait3A_91 = arith.constant 0 : i32
        %dma_wait3A_92 = arith.constant 0 : i32
        %dma_wait3A_93 = tpu.memref_slice %arg6[%rem3A_46, %dma_wait3A_91, %dma_wait3A_92] : memref<2x256x64xf32, #tpu.memory_space<vmem>> -> memref<1x1x64xf32, #tpu.memory_space<vmem>>
        %dma_wait3A_94 = tpu.memref_squeeze %dma_wait3A_93 : memref<1x1x64xf32, #tpu.memory_space<vmem>> -> memref<1x64xf32, #tpu.memory_space<vmem>>
        %dma_wait3A_95 = arith.constant 0 : i32
        %dma_wait3A_96 = arith.constant 0 : i32
        %dma_wait3A_97 = tpu.memref_slice %arg2[%dma_wait3A_95, %dma_wait3A_96] : memref<1000000x64xf32, #tpu.memory_space<hbm>> -> memref<1x64xf32, #tpu.memory_space<hbm>>
        tpu.wait_dma2 semaphore(%dma_wait3A_90 : memref<!tpu.dma_semaphore, #tpu.memory_space<semaphore_mem>>) src(%dma_wait3A_97 : memref<1x64xf32, #tpu.memory_space<hbm>>) dst(%dma_wait3A_94 : memref<1x64xf32, #tpu.memory_space<vmem>>)
        %scan3A_98 = arith.constant 0 : i32
        scf.yield %scan3A_98 : i32
      }
      %scan3A_62 = arith.constant 256 : i32
      %mul3A_63 = arith.constant 256 : i32
      %mul3A_64 = arith.muli %scan3A_44, %mul3A_63 : i32
      %add3A_65 = arith.addi %mul3A_2, %mul3A_64 : i32
      %dma_start3A = arith.constant 0 : i32
      %dma_start3A_66 = arith.constant 0 : i32
      %dma_start3A_67 = tpu.memref_slice %arg6[%rem3A_46, %dma_start3A, %dma_start3A_66] : memref<2x256x64xf32, #tpu.memory_space<vmem>> -> memref<1x256x64xf32, #tpu.memory_space<vmem>>
      %dma_start3A_68 = tpu.memref_squeeze %dma_start3A_67 : memref<1x256x64xf32, #tpu.memory_space<vmem>> -> memref<256x64xf32, #tpu.memory_space<vmem>>
      %dma_start3A_69 = arith.constant 0 : i32
      %dma_start3A_70 = tpu.memref_slice %arg4[%add3A_65, %dma_start3A_69] : memref<131072x64xf32, #tpu.memory_space<hbm>> -> memref<256x64xf32, #tpu.memory_space<hbm>>
      %dma_start3A_71 = tpu.memref_slice %arg8[%rem3A_46] : memref<2x!tpu.dma_semaphore, #tpu.memory_space<semaphore_mem>> -> memref<1x!tpu.dma_semaphore, #tpu.memory_space<semaphore_mem>>
      %dma_start3A_72 = tpu.memref_squeeze %dma_start3A_71 : memref<1x!tpu.dma_semaphore, #tpu.memory_space<semaphore_mem>> -> memref<!tpu.dma_semaphore, #tpu.memory_space<semaphore_mem>>
      %dma_start3A_73 = arith.constant 0 : i32
      %dma_start3A_74 = tpu.memref_slice %arg4[%add3A_65, %dma_start3A_73] : memref<131072x64xf32, #tpu.memory_space<hbm>> -> memref<256x64xf32, #tpu.memory_space<hbm>>
      %dma_start3A_75 = arith.constant 0 : i32
      %dma_start3A_76 = arith.constant 0 : i32
      %dma_start3A_77 = tpu.memref_slice %arg6[%rem3A_46, %dma_start3A_75, %dma_start3A_76] : memref<2x256x64xf32, #tpu.memory_space<vmem>> -> memref<1x256x64xf32, #tpu.memory_space<vmem>>
      %dma_start3A_78 = tpu.memref_squeeze %dma_start3A_77 : memref<1x256x64xf32, #tpu.memory_space<vmem>> -> memref<256x64xf32, #tpu.memory_space<vmem>>
      tpu.enqueue_dma source(%dma_start3A_78 : memref<256x64xf32, #tpu.memory_space<vmem>>) target(%dma_start3A_74 : memref<256x64xf32, #tpu.memory_space<hbm>>) target_semaphore(%dma_start3A_72 : memref<!tpu.dma_semaphore, #tpu.memory_space<semaphore_mem>>)
      %scan3A_79 = arith.constant 0 : i32
      scf.yield %scan3A_79 : i32
    }
    %scan3A_8 = arith.constant 16 : i32
    %add3A_9 = arith.constant 3584 : i32
    %add3A_10 = arith.addi %mul3A_2, %add3A_9 : i32
    %dma_wait3A = arith.constant 0 : i32
    %dma_wait3A_11 = arith.constant 0 : i32
    %dma_wait3A_12 = arith.constant 0 : i32
    %dma_wait3A_13 = arith.constant 0 : i32
    %dma_wait3A_14 = tpu.memref_slice %arg6[%dma_wait3A, %dma_wait3A_12, %dma_wait3A_13] : memref<2x256x64xf32, #tpu.memory_space<vmem>> -> memref<1x256x64xf32, #tpu.memory_space<vmem>>
    %dma_wait3A_15 = tpu.memref_squeeze %dma_wait3A_14 : memref<1x256x64xf32, #tpu.memory_space<vmem>> -> memref<256x64xf32, #tpu.memory_space<vmem>>
    %dma_wait3A_16 = arith.constant 0 : i32
    %dma_wait3A_17 = tpu.memref_slice %arg4[%add3A_10, %dma_wait3A_16] : memref<131072x64xf32, #tpu.memory_space<hbm>> -> memref<256x64xf32, #tpu.memory_space<hbm>>
    %dma_wait3A_18 = tpu.memref_slice %arg8[%dma_wait3A_11] : memref<2x!tpu.dma_semaphore, #tpu.memory_space<semaphore_mem>> -> memref<1x!tpu.dma_semaphore, #tpu.memory_space<semaphore_mem>>
    %dma_wait3A_19 = tpu.memref_squeeze %dma_wait3A_18 : memref<1x!tpu.dma_semaphore, #tpu.memory_space<semaphore_mem>> -> memref<!tpu.dma_semaphore, #tpu.memory_space<semaphore_mem>>
    %dma_wait3A_20 = arith.constant 0 : i32
    %dma_wait3A_21 = tpu.memref_slice %arg4[%add3A_10, %dma_wait3A_20] : memref<131072x64xf32, #tpu.memory_space<hbm>> -> memref<256x64xf32, #tpu.memory_space<hbm>>
    %dma_wait3A_22 = arith.constant 0 : i32
    %dma_wait3A_23 = arith.constant 0 : i32
    %dma_wait3A_24 = tpu.memref_slice %arg6[%dma_wait3A, %dma_wait3A_22, %dma_wait3A_23] : memref<2x256x64xf32, #tpu.memory_space<vmem>> -> memref<1x256x64xf32, #tpu.memory_space<vmem>>
    %dma_wait3A_25 = tpu.memref_squeeze %dma_wait3A_24 : memref<1x256x64xf32, #tpu.memory_space<vmem>> -> memref<256x64xf32, #tpu.memory_space<vmem>>
    tpu.wait_dma2 semaphore(%dma_wait3A_19 : memref<!tpu.dma_semaphore, #tpu.memory_space<semaphore_mem>>) src(%dma_wait3A_25 : memref<256x64xf32, #tpu.memory_space<vmem>>) dst(%dma_wait3A_21 : memref<256x64xf32, #tpu.memory_space<hbm>>)
    %add3A_26 = arith.constant 3840 : i32
    %add3A_27 = arith.addi %mul3A_2, %add3A_26 : i32
    %dma_wait3A_28 = arith.constant 1 : i32
    %dma_wait3A_29 = arith.constant 1 : i32
    %dma_wait3A_30 = arith.constant 0 : i32
    %dma_wait3A_31 = arith.constant 0 : i32
    %dma_wait3A_32 = tpu.memref_slice %arg6[%dma_wait3A_28, %dma_wait3A_30, %dma_wait3A_31] : memref<2x256x64xf32, #tpu.memory_space<vmem>> -> memref<1x256x64xf32, #tpu.memory_space<vmem>>
    %dma_wait3A_33 = tpu.memref_squeeze %dma_wait3A_32 : memref<1x256x64xf32, #tpu.memory_space<vmem>> -> memref<256x64xf32, #tpu.memory_space<vmem>>
    %dma_wait3A_34 = arith.constant 0 : i32
    %dma_wait3A_35 = tpu.memref_slice %arg4[%add3A_27, %dma_wait3A_34] : memref<131072x64xf32, #tpu.memory_space<hbm>> -> memref<256x64xf32, #tpu.memory_space<hbm>>
    %dma_wait3A_36 = tpu.memref_slice %arg8[%dma_wait3A_29] : memref<2x!tpu.dma_semaphore, #tpu.memory_space<semaphore_mem>> -> memref<1x!tpu.dma_semaphore, #tpu.memory_space<semaphore_mem>>
    %dma_wait3A_37 = tpu.memref_squeeze %dma_wait3A_36 : memref<1x!tpu.dma_semaphore, #tpu.memory_space<semaphore_mem>> -> memref<!tpu.dma_semaphore, #tpu.memory_space<semaphore_mem>>
    %dma_wait3A_38 = arith.constant 0 : i32
    %dma_wait3A_39 = tpu.memref_slice %arg4[%add3A_27, %dma_wait3A_38] : memref<131072x64xf32, #tpu.memory_space<hbm>> -> memref<256x64xf32, #tpu.memory_space<hbm>>
    %dma_wait3A_40 = arith.constant 0 : i32
    %dma_wait3A_41 = arith.constant 0 : i32
    %dma_wait3A_42 = tpu.memref_slice %arg6[%dma_wait3A_28, %dma_wait3A_40, %dma_wait3A_41] : memref<2x256x64xf32, #tpu.memory_space<vmem>> -> memref<1x256x64xf32, #tpu.memory_space<vmem>>
    %dma_wait3A_43 = tpu.memref_squeeze %dma_wait3A_42 : memref<1x256x64xf32, #tpu.memory_space<vmem>> -> memref<256x64xf32, #tpu.memory_space<vmem>>
    tpu.wait_dma2 semaphore(%dma_wait3A_37 : memref<!tpu.dma_semaphore, #tpu.memory_space<semaphore_mem>>) src(%dma_wait3A_43 : memref<256x64xf32, #tpu.memory_space<vmem>>) dst(%dma_wait3A_39 : memref<256x64xf32, #tpu.memory_space<hbm>>)
    return
  }
}

module attributes {stable_mosaic.version = 14 : i64} {
  func.func @_mlp_body(%arg0: i32, %arg1: memref<256x2048xf32, #tpu.memory_space<vmem>>, %arg2: memref<2048x64xf32, #tpu.memory_space<vmem>>, %arg3: memref<1x64xf32, #tpu.memory_space<vmem>>, %arg4: memref<64x128xf32, #tpu.memory_space<vmem>>, %arg5: memref<1x128xf32, #tpu.memory_space<vmem>>, %arg6: memref<128x128xf32, #tpu.memory_space<vmem>>, %arg7: memref<1x128xf32, #tpu.memory_space<vmem>>, %arg8: memref<1x128xf32, #tpu.memory_space<vmem>>, %arg9: memref<1x1xf32, #tpu.memory_space<vmem>>, %arg10: memref<256x1xf32, #tpu.memory_space<vmem>>) attributes {dimension_semantics = [#tpu.dimension_semantics<arbitrary>], iteration_bounds = array<i64: 16>, scalar_prefetch = 0 : i64, scratch_operands = 0 : i64, tpu.core_type = #tpu.core_type<tc>, window_params = [{transform_indices = @transform_0, window_bounds = array<i64: 256, 2048>}, {pipeline_mode = #tpu.pipeline_mode<synchronous>, transform_indices = @transform_1, window_bounds = array<i64: 2048, 64>}, {pipeline_mode = #tpu.pipeline_mode<synchronous>, transform_indices = @transform_2, window_bounds = array<i64: 1, 64>}, {pipeline_mode = #tpu.pipeline_mode<synchronous>, transform_indices = @transform_3, window_bounds = array<i64: 64, 128>}, {pipeline_mode = #tpu.pipeline_mode<synchronous>, transform_indices = @transform_4, window_bounds = array<i64: 1, 128>}, {pipeline_mode = #tpu.pipeline_mode<synchronous>, transform_indices = @transform_5, window_bounds = array<i64: 128, 128>}, {pipeline_mode = #tpu.pipeline_mode<synchronous>, transform_indices = @transform_6, window_bounds = array<i64: 1, 128>}, {pipeline_mode = #tpu.pipeline_mode<synchronous>, transform_indices = @transform_7, window_bounds = array<i64: 1, 128>}, {pipeline_mode = #tpu.pipeline_mode<synchronous>, transform_indices = @transform_8, window_bounds = array<i64: 1, 1>}, {transform_indices = @transform_9, window_bounds = array<i64: 256, 1>}]} {
    %get3A = arith.constant 0 : index
    %get3A_0 = arith.constant 0 : index
    %get3A_1 = vector.load %arg1[%get3A, %get3A_0] : memref<256x2048xf32, #tpu.memory_space<vmem>>, vector<256x2048xf32>
    %get3A_2 = arith.constant 0 : index
    %get3A_3 = arith.constant 0 : index
    %get3A_4 = vector.load %arg2[%get3A_2, %get3A_3] : memref<2048x64xf32, #tpu.memory_space<vmem>>, vector<2048x64xf32>
    %dot_general3A = arith.constant dense<0.000000e+00> : vector<256x64xf32>
    %dot_general3A_5 = tpu.matmul %get3A_1, %get3A_4, %dot_general3A {dimension_numbers = #tpu.dot_dimension_numbers<[1], [0], [0], [1], [0, 0, 1, 1], [], []>, transpose_lhs_hint = false} : vector<256x2048xf32>, vector<2048x64xf32>, vector<256x64xf32> -> vector<256x64xf32>
    %get3A_6 = arith.constant 0 : index
    %get3A_7 = arith.constant 0 : index
    %get3A_8 = vector.load %arg3[%get3A_6, %get3A_7] : memref<1x64xf32, #tpu.memory_space<vmem>>, vector<1x64xf32>
    %add3A = vector.broadcast %get3A_8 : vector<1x64xf32> to vector<256x64xf32>
    %add3A_9 = arith.addf %dot_general3A_5, %add3A : vector<256x64xf32>
    %logistic3A = arith.negf %add3A_9 : vector<256x64xf32>
    %logistic3A_10 = math.exp %logistic3A : vector<256x64xf32>
    %logistic3A_11 = arith.constant 1.000000e+00 : f32
    %logistic3A_12 = vector.broadcast %logistic3A_11 : f32 to vector<256x64xf32>
    %logistic3A_13 = arith.addf %logistic3A_12, %logistic3A_10 : vector<256x64xf32>
    %logistic3A_14 = arith.divf %logistic3A_12, %logistic3A_13 : vector<256x64xf32>
    %get3A_15 = arith.constant 0 : index
    %get3A_16 = arith.constant 0 : index
    %get3A_17 = vector.load %arg4[%get3A_15, %get3A_16] : memref<64x128xf32, #tpu.memory_space<vmem>>, vector<64x128xf32>
    %dot_general3A_18 = arith.constant dense<0.000000e+00> : vector<256x128xf32>
    %dot_general3A_19 = tpu.matmul %logistic3A_14, %get3A_17, %dot_general3A_18 {dimension_numbers = #tpu.dot_dimension_numbers<[1], [0], [0], [1], [0, 0, 1, 1], [], []>, transpose_lhs_hint = false} : vector<256x64xf32>, vector<64x128xf32>, vector<256x128xf32> -> vector<256x128xf32>
    %get3A_20 = arith.constant 0 : index
    %get3A_21 = arith.constant 0 : index
    %get3A_22 = vector.load %arg5[%get3A_20, %get3A_21] : memref<1x128xf32, #tpu.memory_space<vmem>>, vector<1x128xf32>
    %add3A_23 = vector.broadcast %get3A_22 : vector<1x128xf32> to vector<256x128xf32>
    %add3A_24 = arith.addf %dot_general3A_19, %add3A_23 : vector<256x128xf32>
    %logistic3A_25 = arith.negf %add3A_24 : vector<256x128xf32>
    %logistic3A_26 = math.exp %logistic3A_25 : vector<256x128xf32>
    %logistic3A_27 = arith.constant 1.000000e+00 : f32
    %logistic3A_28 = vector.broadcast %logistic3A_27 : f32 to vector<256x128xf32>
    %logistic3A_29 = arith.addf %logistic3A_28, %logistic3A_26 : vector<256x128xf32>
    %logistic3A_30 = arith.divf %logistic3A_28, %logistic3A_29 : vector<256x128xf32>
    %get3A_31 = arith.constant 0 : index
    %get3A_32 = arith.constant 0 : index
    %get3A_33 = vector.load %arg6[%get3A_31, %get3A_32] : memref<128x128xf32, #tpu.memory_space<vmem>>, vector<128x128xf32>
    %dot_general3A_34 = arith.constant dense<0.000000e+00> : vector<256x128xf32>
    %dot_general3A_35 = tpu.matmul %logistic3A_30, %get3A_33, %dot_general3A_34 {dimension_numbers = #tpu.dot_dimension_numbers<[1], [0], [0], [1], [0, 0, 1, 1], [], []>, transpose_lhs_hint = false} : vector<256x128xf32>, vector<128x128xf32>, vector<256x128xf32> -> vector<256x128xf32>
    %get3A_36 = arith.constant 0 : index
    %get3A_37 = arith.constant 0 : index
    %get3A_38 = vector.load %arg7[%get3A_36, %get3A_37] : memref<1x128xf32, #tpu.memory_space<vmem>>, vector<1x128xf32>
    %add3A_39 = vector.broadcast %get3A_38 : vector<1x128xf32> to vector<256x128xf32>
    %add3A_40 = arith.addf %dot_general3A_35, %add3A_39 : vector<256x128xf32>
    %logistic3A_41 = arith.negf %add3A_40 : vector<256x128xf32>
    %logistic3A_42 = math.exp %logistic3A_41 : vector<256x128xf32>
    %logistic3A_43 = arith.constant 1.000000e+00 : f32
    %logistic3A_44 = vector.broadcast %logistic3A_43 : f32 to vector<256x128xf32>
    %logistic3A_45 = arith.addf %logistic3A_44, %logistic3A_42 : vector<256x128xf32>
    %logistic3A_46 = arith.divf %logistic3A_44, %logistic3A_45 : vector<256x128xf32>
    %get3A_47 = arith.constant 0 : index
    %get3A_48 = arith.constant 0 : index
    %get3A_49 = vector.load %arg8[%get3A_47, %get3A_48] : memref<1x128xf32, #tpu.memory_space<vmem>>, vector<1x128xf32>
    %mul3A = vector.broadcast %get3A_49 : vector<1x128xf32> to vector<256x128xf32>
    %mul3A_50 = arith.mulf %logistic3A_46, %mul3A : vector<256x128xf32>
    %reduce_sum3A = arith.constant dense<0.000000e+00> : vector<256xf32>
    %reduce_sum3A_51 = vector.multi_reduction <add>, %mul3A_50, %reduce_sum3A [1] : vector<256x128xf32> to vector<256xf32>
    %broadcast_in_dim3A = vector.shape_cast %reduce_sum3A_51 : vector<256xf32> to vector<256x1xf32>
    %get3A_52 = arith.constant 0 : index
    %get3A_53 = arith.constant 0 : index
    %get3A_54 = vector.load %arg9[%get3A_52, %get3A_53] : memref<1x1xf32, #tpu.memory_space<vmem>>, vector<1x1xf32>
    %add3A_55 = vector.broadcast %get3A_54 : vector<1x1xf32> to vector<256x1xf32>
    %add3A_56 = arith.addf %broadcast_in_dim3A, %add3A_55 : vector<256x1xf32>
    %logistic3A_57 = arith.negf %add3A_56 : vector<256x1xf32>
    %logistic3A_58 = math.exp %logistic3A_57 : vector<256x1xf32>
    %logistic3A_59 = arith.constant 1.000000e+00 : f32
    %logistic3A_60 = vector.broadcast %logistic3A_59 : f32 to vector<256x1xf32>
    %logistic3A_61 = arith.addf %logistic3A_60, %logistic3A_58 : vector<256x1xf32>
    %logistic3A_62 = arith.divf %logistic3A_60, %logistic3A_61 : vector<256x1xf32>
    %swap3A = arith.constant 0 : index
    %swap3A_63 = arith.constant 0 : index
    %swap3A_64 = vector.load %arg10[%swap3A, %swap3A_63] : memref<256x1xf32, #tpu.memory_space<vmem>>, vector<256x1xf32>
    tpu.vector_store %arg10[%swap3A, %swap3A_63], %logistic3A_62 {strides = array<i32>} : memref<256x1xf32, #tpu.memory_space<vmem>>, vector<256x1xf32>,
    return
  }
  func.func @transform_0(%arg0: i32) -> (i32, i32) {
    %c0_i32 = arith.constant 0 : i32
    %c0_i32_0 = arith.constant 0 : i32
    return %arg0, %c0_i32 : i32, i32
  }
  func.func @transform_1(%arg0: i32) -> (i32, i32) {
    %c0_i32 = arith.constant 0 : i32
    %c0_i32_0 = arith.constant 0 : i32
    %c0_i32_1 = arith.constant 0 : i32
    return %c0_i32, %c0_i32_0 : i32, i32
  }
  func.func @transform_2(%arg0: i32) -> (i32, i32) {
    %c0_i32 = arith.constant 0 : i32
    %c0_i32_0 = arith.constant 0 : i32
    %c0_i32_1 = arith.constant 0 : i32
    return %c0_i32, %c0_i32_0 : i32, i32
  }
  func.func @transform_3(%arg0: i32) -> (i32, i32) {
    %c0_i32 = arith.constant 0 : i32
    %c0_i32_0 = arith.constant 0 : i32
    %c0_i32_1 = arith.constant 0 : i32
    return %c0_i32, %c0_i32_0 : i32, i32
  }
  func.func @transform_4(%arg0: i32) -> (i32, i32) {
    %c0_i32 = arith.constant 0 : i32
    %c0_i32_0 = arith.constant 0 : i32
    %c0_i32_1 = arith.constant 0 : i32
    return %c0_i32, %c0_i32_0 : i32, i32
  }
  func.func @transform_5(%arg0: i32) -> (i32, i32) {
    %c0_i32 = arith.constant 0 : i32
    %c0_i32_0 = arith.constant 0 : i32
    %c0_i32_1 = arith.constant 0 : i32
    return %c0_i32, %c0_i32_0 : i32, i32
  }
  func.func @transform_6(%arg0: i32) -> (i32, i32) {
    %c0_i32 = arith.constant 0 : i32
    %c0_i32_0 = arith.constant 0 : i32
    %c0_i32_1 = arith.constant 0 : i32
    return %c0_i32, %c0_i32_0 : i32, i32
  }
  func.func @transform_7(%arg0: i32) -> (i32, i32) {
    %c0_i32 = arith.constant 0 : i32
    %c0_i32_0 = arith.constant 0 : i32
    %c0_i32_1 = arith.constant 0 : i32
    return %c0_i32, %c0_i32_0 : i32, i32
  }
  func.func @transform_8(%arg0: i32) -> (i32, i32) {
    %c0_i32 = arith.constant 0 : i32
    %c0_i32_0 = arith.constant 0 : i32
    %c0_i32_1 = arith.constant 0 : i32
    return %c0_i32, %c0_i32_0 : i32, i32
  }
  func.func @transform_9(%arg0: i32) -> (i32, i32) {
    %c0_i32 = arith.constant 0 : i32
    %c0_i32_0 = arith.constant 0 : i32
    return %arg0, %c0_i32 : i32, i32
  }
}

</mosaic_0001>

<sc_bundles>
// kernel: kernel.4.cloned.1.call-start
scs
__scs_entry_jumppad:
0x0: {  	(pc) =	sbr.rel $0x88, $3  }
0x1: {  	(tag) =	ssettag $0x0;
	lr =	simm.s32 $0x1  }
0x2: {  	[smem:$0x3F97] =	sst lr;
	_ =	strace $0xD0000000  }
0x3: {  	_ = 	snop  }
0x4: {  	_ = 	snop  }
0x5: {  	_ = 	snop  }
0x6: {  	_ = 	snop  }
0x7: {  	_ = 	snop  }
__scs_overlays_trampoline_lowered:
0x8: {  	[smem:$0x3FA6] =	sst s0  }
0x9: {  	[smem:$0x3FA7] =	sst s1  }
0xa: {  	[smem:$0x3FA8] =	sst s2  }
0xb: {  	[smem:$0x3FA9] =	sst s3  }
0xc: {  	[smem:$0x3FAA] =	sst s4  }
0xd: {  	[smem:$0x3FAB] =	sst s5  }
0xe: {  	[smem:$0x3FAC] =	sst s6  }
0xf: {  	[smem:$0x3FAD] =	sst s7  }
0x10: {  	[smem:$0x3FAE] =	sst s8  }
0x11: {  	[smem:$0x3FAF] =	sst s9;
	s0 =	simm.s32 @!p0 $0x0  }
0x12: {  	s1 =	sld [smem:$0x3F95];
	s0 =	simm.s32 @p0 $0x1  }
0x13: {  	[smem:$0x3FB0] =	sst s0;
	s0 =	simm.s32 @!p1 $0x0  }
0x14: {  	s2 =	sld [smem:$0x3F94];
	s0 =	simm.s32 @p1 $0x1  }
0x15: {  	[smem:$0x3FB1] =	sst s0;
	s0 =	simm.s32 @!p2 $0x0  }
0x16: {  	s3 =	sld [smem:$0x3FDB];
	s0 =	simm.s32 @p2 $0x1  }
0x17: {  	s4 =	simm.s32 $0x1BF5;
	[smem:$0x3FB3] =	sst s0  }
0x18: {  	s0 =	sld [smem:$0x3F96];
	_ =	swait.ge [sflag:s4], $0x0  }
0x19: {  	s7 =	sld [smem:$0x3F97]  }
0x1a: {  	s8 =	sadd.s32 $0xFFFFE003, lr  }
0x1b: {  	s9 =	sadd.s32 $0xFFFFFEF7, lr;
	s5 =	simm.s32 $0xFFFFFFFF;
	p2 =	slt.u32 s8, $0xFFFFF086  }
0x1c: {  	p1 =	slt.u32 s9, $0xF7A;
	s5 =	simm.s32 @!p2 $0x0  }
0x1d: {  	s5 =	simm.s32 @p1 $0x1;
	p0 =	seq.s32 s7, s2  }
0x1e: {  	s7 =	smul.u32 @!p0 $0xF7A, s2;
	p2 =	seq.s32 @!p0 s5, $0x0  }
0x1f: {  	s9 =	smul.u32 $0xF7A, s1;
	s8 =	simm.s32 @!p0 $0x1BF5;
	p2 =	por !p2, p0  }
0x20: {  	[sflag:s8] =	ssyncset.s32 @!p0 $0xFFFFF086;
	s6 =	sadd.s32 @!p0 s3, s7;
	s7 =	simm.s32 @!p0 $0x108  }
0x21: {  	s3 =	sadd.s32 s3, s9;
	s6 =	sadd.s32 @!p0 $0x88, s6;
	s7 =	simm.s32 @p2 $0x1082  }
0x22: {  	[simem:s7], [sflag:s8] =	dma.local @!p0 [hbm:s6], $0xF7A  }
0x23: {  	s9 =	sor.u32 $0xD0000000, s2;
	s6 =	simm.s32 $0x108;
	_ =	swait.ge @!p0 [sflag:s8], $0x0  }
0x24: {  	s3 =	sadd.s32 $0x88, s3;
	s6 =	simm.s32 @!p1 $0x1082;
	[sflag:s4] =	ssyncset.s32 $0xFFFFF086  }
0x25: {  	[simem:s6], [sflag:s4] =	dma.local [hbm:s3], $0xF7A  }
0x26: {  	[smem:$0x3F97] =	sst s1;
	(tag) =	ssettag s2;
	_ =	strace s9  }
0x27: {  	s1 =	sld [smem:$0x3FA7]  }
0x28: {  	s2 =	sld [smem:$0x3FA8]  }
0x29: {  	s4 =	sld [smem:$0x3FAA]  }
0x2a: {  	p0 =	seq.s32 s5, $0x0;
	s5 =	sld [smem:$0x3FAB]  }
0x2b: {  	s6 =	sld [smem:$0x3FAC]  }
0x2c: {  	s7 =	sld [smem:$0x3FAD]  }
0x2d: {  	s3 =	simm.s32 $0x108;
	s8 =	sld [smem:$0x3FAE]  }
0x2e: {  	s3 =	simm.s32 @!p0 $0x1082;
	s9 =	sld [smem:$0x3FAF]  }
0x2f: {  	lr =	sadd.s32 s0, s3;
	s0 =	sld [smem:$0x3FA6]  }
0x30: {  	s3 =	sld [smem:$0x3FA9]  }
0x31: {  	[smem:$0x3FB2] =	sst s10  }
0x32: {  	s10 =	sld [smem:$0x3FB0];
	_ =	sdelay $0x3  }
0x33: {  	p0 =	seq.s32 s10, $0x1;
	s10 =	sld [smem:$0x3FB2];
	_ =	sdelay $0x3  }
0x34: {  	[smem:$0x3FB2] =	sst s10  }
0x35: {  	s10 =	sld [smem:$0x3FB1];
	_ =	sdelay $0x3  }
0x36: {  	p1 =	seq.s32 s10, $0x1;
	s10 =	sld [smem:$0x3FB2];
	_ =	sdelay $0x3  }
0x37: {  	[smem:$0x3FB2] =	sst s10  }
0x38: {  	s10 =	sld [smem:$0x3FB3]  }
0x39: {  	_ = 	snop;
	(pc) =	sbr.ind lr, $3  }
0x3a: {  	_ = 	snop  }
0x3b: {  	_ = 	snop  }
0x3c: {  	p2 =	seq.s32 s10, $0x1;
	s10 =	sld [smem:$0x3FB2]  }
0x3d: {  	_ =	shalt  }
0x3e: {  	_ =	shalt  }
0x3f: {  	_ =	shalt  }
0x40: {  	_ =	shalt  }
0x41: {  	_ =	shalt  }
0x42: {  	_ =	shalt  }
0x43: {  	_ =	shalt  }
0x44: {  	_ =	shalt  }
0x45: {  	_ =	shalt  }
0x46: {  	_ =	shalt  }
0x47: {  	_ =	shalt  }
0x48: {  	_ =	shalt  }
0x49: {  	_ =	shalt  }
0x4a: {  	_ =	shalt  }
0x4b: {  	_ =	shalt  }
0x4c: {  	_ =	shalt  }
0x4d: {  	_ =	shalt  }
0x4e: {  	_ =	shalt  }
0x4f: {  	_ =	shalt  }
0x50: {  	_ =	shalt  }
0x51: {  	_ =	shalt  }
0x52: {  	_ =	shalt  }
0x53: {  	_ =	shalt  }
0x54: {  	_ =	shalt  }
0x55: {  	_ =	shalt  }
0x56: {  	_ =	shalt  }
0x57: {  	_ =	shalt  }
0x58: {  	_ =	shalt  }
0x59: {  	_ =	shalt  }
0x5a: {  	_ =	shalt  }
0x5b: {  	_ =	shalt  }
0x5c: {  	_ =	shalt  }
0x5d: {  	_ =	shalt  }
0x5e: {  	_ =	shalt  }
0x5f: {  	_ =	shalt  }
0x60: {  	_ =	shalt  }
0x61: {  	_ =	shalt  }
0x62: {  	_ =	shalt  }
0x63: {  	_ =	shalt  }
0x64: {  	_ =	shalt  }
0x65: {  	_ =	shalt  }
0x66: {  	_ =	shalt  }
0x67: {  	_ =	shalt  }
0x68: {  	_ =	shalt  }
0x69: {  	_ =	shalt  }
0x6a: {  	_ =	shalt  }
0x6b: {  	_ =	shalt  }
0x6c: {  	_ =	shalt  }
0x6d: {  	_ =	shalt  }
0x6e: {  	_ =	shalt  }
0x6f: {  	_ =	shalt  }
0x70: {  	_ =	shalt  }
0x71: {  	_ =	shalt  }
0x72: {  	_ =	shalt  }
0x73: {  	_ =	shalt  }
0x74: {  	_ =	shalt  }
0x75: {  	_ =	shalt  }
0x76: {  	_ =	shalt  }
0x77: {  	_ =	shalt  }
0x78: {  	_ =	shalt  }
0x79: {  	_ =	shalt  }
0x7a: {  	_ =	shalt  }
0x7b: {  	_ =	shalt  }
0x7c: {  	_ =	shalt  }
0x7d: {  	_ =	shalt  }
0x7e: {  	_ =	shalt  }
0x7f: {  	_ =	shalt  }
0x80: {  	_ =	shalt  }
0x81: {  	_ =	shalt  }
0x82: {  	_ =	shalt  }
0x83: {  	_ =	shalt  }
0x84: {  	_ =	shalt  }
0x85: {  	_ =	shalt  }
0x86: {  	_ =	shalt  }
0x87: {  	_ =	shalt  }
.Lfunc_end0:
.L_simem_size_0:
called_computation_lowered:
.L_overlay_start_0:
0x88: {  	s2 =	sld [smem:$0x3FD9]  }
0x89: {  	s3 =	sld [smem:$0x3FFE];
	_ =	sdelay $0x1  }
0x8a: {  	s1 =	srdreg.scid  }
0x8b: {  	s0 =	sand.u32 $0x1, s1  }
0x8c: {  	s16 =	sshll.u32 s0, $0xA;
	s2 =	sadd.s32 s3, s2  }
0x8d: {  	s2 =	sadd.s32 s2, s16  }
0x8e: {  	[smem:$0x3FBE] =	sst s2  }
0x8f: {  	_ = 	snop  }
0x90: {  	(tm) =	ssettm $0x1  }
0x91: {  	s17 =	sld [smem:$0x3FFB];
	_ =	sdelay $0x3  }
0x92: {  	_ =	strace s17  }
0x93: {  	s2 =	sld [smem:$0x3FFC];
	_ =	sdelay $0x3  }
0x94: {  	_ =	strace s2  }
0x95: {  	s2 =	sld [smem:$0x3FFD];
	_ =	sdelay $0x3  }
0x96: {  	_ =	strace s2  }
0x97: {  	_ =	strace $0x8FFFFFFF  }
0x98: {  	s18 =	sld [smem:$0x3FDB];
	_ =	sdelay $0x1  }
0x99: {  	s19 =	simm.s32 $_scs_section_size  }
0x9a: {  	s4 =	simm.s32 $_size__tile_overlayer_lowered;
	s5 =	simm.s32 $_tile_overlayer_lowered  }
0x9b: {  	s22 =	simm.s32 $0x1BFF;
	s21 =	sshll.u32 s5, $0x1;
	s2 =	sadd.s32 s19, s18  }
0x9c: {  	s6 =	simm.s32 $0x0;
	s20 =	sshll.u32 s4, $0x1;
	s4 =	sadd.s32 s21, s2  }
0x9d: {  	[timem:s6], [sflag:s22] =	dma.local [hbm:s4], s20  }
0x9e: {  	_ =	swait.ge [sflag:s22], s20  }
0x9f: {  	s3 =	ssub.s32 $0x0, s20;
	[sflag:s22] =	ssyncset.done $0x0  }
0xa0: {  	[sflag:s22] =	ssyncadd.s32 s3;
	_ =	sdelay $0x1  }
0xa1: {  	s23 =	simm.s32 $0x1B8B  }
0xa2: {  	_ =	swait.ge [sflag:s23], $0x1  }
0xa3: {  	[sflag:s23] =	ssyncset.done $0x0  }
0xa4: {  	s25 =	simm.s32 $0x1B8E;
	s24 =	sld [smem:$0x3FFE];
	[sflag:s23] =	ssyncadd.s32 $0xFFFFFFFF  }
0xa5: {  	s26 =	simm.s32 $execute0_lowered;
	[smem:$0x3FD2] =	sst s25  }
0xa6: {  	s4 =	sshll.u32 s26, $0x1;
	_ =	strace $0x80000046;
	[dreg:$0x1] =	wrdreg $0xFFFFFFFF  }
0xa7: {  	s28 =	simm.s32 $_size_execute0_lowered;
	s2 =	sadd.s32 s2, s4;
	[dreg:$0x0] =	wrdreg $0x0  }
0xa8: {  	s4 =	sshll.u32 s28, $0x1;
	[dreg:$0x2] =	wrdreg s2  }
0xa9: {  	[dreg:$0x3] =	wrdreg s4  }
0xaa: {  	[dreg:$0x4] =	wrdreg $0xC0  }
0xab: {  	_ =	task [dreg:s6], $0x5FFFF  }
0xac: {  	[dreg:$0x1] =	wrdreg $0xFFFFFFFF  }
0xad: {  	[dreg:$0x0] =	wrdreg $0x60  }
0xae: {  	[dreg:$0x2] =	wrdreg s24  }
0xaf: {  	[dreg:$0x3] =	wrdreg $0x9  }
0xb0: {  	_ =	task.clear_ibuf [dreg:s6], $0x4FFFF;
	_ =	strace $0x90000046  }
0xb1: {  	s29 =	simm.s32 $0x9;
	_ =	strace $0x80000048  }
0xb2: {  	_ =	swait.ge [sflag:s29], $0x1  }
0xb3: {  	[sflag:s29] =	ssyncadd.s32 $0xFFFFFFFF  }
0xb4: {  	_ =	strace $0x90000048  }
0xb5: {  	_ =	sfence  }
0xb6: {  	s30 =	sld [smem:$0x0];
	_ =	sdelay $0x2  }
0xb7: {  	s31 =	sshll.u32 s1, $0xD;
	s1 =	sshrl.u32 s1, $0x2  }
0xb8: {  	s3 =	sand.u32 $0x4000, s31;
	s1 =	sadd.s32 s1, s30  }
0xb9: {  	s0 =	sor.u32 s3, s0;
	s1 =	sshll.u32 s1, $0x11  }
0xba: {  	s0 =	sor.u32 s1, s0  }
0xbb: {  	s0 =	sadd.s32 $0x8F2B, s0  }
0xbc: {  	[sflag:s0] =	ssyncadd.remote.s32 $0x1  }
0xbd: {  	_ =	sfence.sel $0xFFFF  }
0xbe: {  	[dreg:$0x0] =	wrdreg $0xFFFFFFFF;
	(pc) =	sbr.abs _section_cstart, $3  }
0xbf: {  	[dreg:$0x1] =	wrdreg $0xFFFFFFFF  }
0xc0: {  	_ =	task.clear_ibuf [dreg:s6], $0x2FFFF;
	_ =	strace $0x9FFFFFFF  }
0xc1: {  	(tm) =	ssettm $0x7FFFFFFF  }
tec
execute0_lowered:
.L_overlay_start_1:
0x0: {  	(tag) =	ssettag $0x1  }
0x1: {  	s4 =	rddreg [dreg:$0x0];
	s3 =	srdreg.scid;
	s2 =	simm.s32 $0x0  }
0x2: {  	s0 =	stileid.u32;
	s10 =	simm.s32 $0x0;
	s5 =	sand.u32 $0x1, s3  }
0x3: {  	s29 =	sshll.u32 s0, $0xD;
	s6 =	sshll.u32 s5, $0xC;
	s5 =	ssub.s32 $0x2, s5  }
0x4: {  	[smem:$0x7FF] =	sst s2;
	s6 =	sor.u32 s6, s29;
	s8 =	sshrl.u32 s5, $0x1  }
0x5: {  	_ =	strace $0x80000047;
	s7 =	sshrl.u32 s6, $0x3;
	s8 =	ssub.s32 s5, s8  }
0x6: {  	s6 =	sshll.u32 s6, $0x4;
	s7 =	sadd.s32 s7, s4;
	s31 =	smax.u32 s8, $0x1  }
0x7: {  	s6 =	sadd.s32 s6, s4;
	s30 =	sadd.s32 $0xF43800, s7;
	[dreg:$0x5] =	wrdreg s31  }
0x8: {  	s3 =	sadd.s32 $0x1400, s4;
	s5 =	sadd.s32 $0xF47800, s6;
	[dreg:$0x4] =	wrdreg s30  }
.LBB2_1:
0x9: {  	s0 =	rddreg [dreg:$0x4];
	s31 =	simm.s32 $0x5  }
0xa: {  	[tilespmem:s2], [sflag:$0x5] =	stream.linear.gather [hbm4b:s0+s2], $0x1000, $0x38;
	[tilespmem:$0x11000] =	vst v63  }
0xb: {  	_ =	swait.ge [sflag:s31], $0x1000  }
0xc: {  	[sflag:s31] =	ssyncset.done $0x0  }
0xd: {  	p0 =	por $0x0, $0x0;
	s11 =	simm.s32 $0x0;
	[sflag:s31] =	ssyncadd.s32 $0xFFFFF000  }
.LBB2_2:
0xe: {  	s12 =	simm.s32 $0x1  }
0xf: {  	s12 =	simm.s32 @!p0 $0x0  }
0x10: {  	p1 =	slt.u32 s11, $0x2;
	s13 =	sshll.u32 s11, $0x8;
	s12 =	sshll.u32 s12, $0xF  }
0x11: {  	s14 =	sshll.u32 s11, $0x7;
	s13 =	sand.u32 $0x800, s13;
	s12 =	sor.u32 $0x1000, s12  }
0x12: {  	s14 =	sand.u32 $0x380, s14;
	[dreg:$0x3] =	wrdreg s12;
	s12 =	sand.u32 $0x1, s11  }
0x13: {  	s13 =	sor.u32 s14, s13;
	s15 =	sadd.s32 @!p1 $0x3, s12  }
0x14: {  	s16 =	simm.s32 $0x0;
	_ =	swait.ge @!p1 [sflag:s15], $0x8000;
	[dreg:$0x2] =	wrdreg s13  }
0x15: {  	s30 =	sand.u32 $0x400, s16;
	s13 =	rddreg [dreg:$0x2]  }
0x16: {  	s17 =	sand.u32 $0x70, s16;
	[sflag:s15] =	ssyncset.done @!p1 $0x0;
	s13 =	sadd.s32 s30, s13  }
0x17: {  	[sflag:s15] =	ssyncadd.s32 @!p1 $0xFFFF8000;
	s13 =	sadd.s32 s17, s13  }
0x18: {  	v0 =	vld [tilespmem:s13+$0x0];
	_ =	sdelay $0x4  }
0x19: {  	v0 =	vshll.u32 v0, $0x4  }
0x1a: {  	(v2sf) =	vpush v0, $0x0  }
0x1b: {  	(v2sf) =	vpush v0, $0x2  }
0x1c: {  	s18 =	simm.s32 $0x4000;
	s19 =	simm.s32 $0x80;
	s20 =	rddreg [dreg:$0x2];
	(v2sf) =	vpush v0, $0x1  }
0x1d: {  	s31 =	sshll.u32 s12, $0xF;
	s14 =	sadd.s32 $0x1, s12;
	s21 =	rddreg [dreg:$0x3];
	(v2sf) =	vpush v0, $0x3  }
0x1e: {  	s15 =	simm.s32 $0x2000;
	s17 =	simm.s32 $0x10;
	s13 =	sor.u32 $0x1000, s31;
	(v2sf) =	vpush v0, $0x4  }
.LBB2_3:
0x1f: {  	_ =	sdelay $0x3  }
0x20: {  	s22 =	sand.u32 $0x70, s17;
	(v2sf) =	vpush v0, $0x5  }
0x21: {  	s23 =	smov.u32 s18;
	s24 =	sand.u32 $0x400, s19;
	s25 =	sshra.s32 s16, $0x2  }
0x22: {  	s16 =	smov.u32 s15;
	s20 =	sadd.s32 s24, s20;
	s21 =	sadd.s32 s25, s21;
	(v2sf) =	vpush v0, $0x6  }
0x23: {  	s15 =	smov.u32 s23;
	s20 =	sadd.s32 s22, s20;
	s30 =	sadd.s32 $0x80, s21  }
0x24: {  	s24 =	sadd.s32 $0x580, s21;
	s23 =	sadd.s32 $0x600, s21;
	s22 =	sadd.s32 $0x680, s21;
	(v2sf) =	vpush v0, $0x7  }
0x25: {  	s28 =	sadd.s32 $0x400, s21;
	s26 =	sadd.s32 $0x480, s21;
	s25 =	sadd.s32 $0x500, s21  }
0x26: {  	s31 =	sadd.s32 $0x300, s21;
	s29 =	sadd.s32 $0x380, s21;
	s0 =	spop (v2sf);
	(v2sf) =	vpush v0, $0x8  }
0x27: {  	s1 =	sadd.s32 $0x100, s21;
	s0 =	sand.u32 $0x1FFFFFF0, s0;
	s4 =	spop (v2sf)  }
0x28: {  	s6 =	sadd.s32 $0x280, s21;
	s0 =	sadd.s32 s3, s0;
	s7 =	spop (v2sf);
	(v2sf) =	vpush v0, $0x9  }
0x29: {  	[tilespmem:s21], [sflag:s14] =	stream.linear.gather [hbm4b:s0+s2], $0x80, $0x38;
	[tilespmem:$0x11000] =	vst v63  }
0x2a: {  	s8 =	sadd.s32 $0x200, s21;
	s9 =	sand.u32 $0x1FFFFFF0, s7;
	s7 =	spop (v2sf);
	(v2sf) =	vpush v0, $0xA  }
0x2b: {  	s4 =	sand.u32 $0x1FFFFFF0, s4;
	s0 =	sadd.s32 s3, s9;
	s9 =	spop (v2sf)  }
0x2c: {  	(v2sf) =	vpush v0, $0xB;
	[tilespmem:s30], [sflag:s14] =	stream.linear.gather [hbm4b:s0+s2], $0x80, $0x38;
	[tilespmem:$0x11000] =	vst v63  }
0x2d: {  	s4 =	sadd.s32 s3, s4;
	s30 =	sand.u32 $0x1FFFFFF0, s7;
	s7 =	sand.u32 $0x1FFFFFF0, s9  }
0x2e: {  	(v2sf) =	vpush v0, $0xC;
	[tilespmem:s1], [sflag:s14] =	stream.linear.gather [hbm4b:s4+s2], $0x80, $0x38;
	[tilespmem:$0x11000] =	vst v63  }
0x2f: {  	s9 =	sadd.s32 s3, s30;
	s30 =	spop (v2sf);
	s1 =	sadd.s32 $0x180, s21  }
0x30: {  	(v2sf) =	vpush v0, $0xD;
	[tilespmem:s1], [sflag:s14] =	stream.linear.gather [hbm4b:s9+s2], $0x80, $0x38;
	[tilespmem:$0x11000] =	vst v63  }
0x31: {  	s4 =	sand.u32 $0x1FFFFFF0, s30;
	s1 =	sadd.s32 s3, s7;
	s7 =	spop (v2sf)  }
0x32: {  	(v2sf) =	vpush v0, $0xE;
	[tilespmem:s8], [sflag:s14] =	stream.linear.gather [hbm4b:s1+s2], $0x80, $0x38;
	[tilespmem:$0x11000] =	vst v63  }
0x33: {  	s9 =	sand.u32 $0x1FFFFFF0, s7;
	s30 =	spop (v2sf);
	s8 =	sadd.s32 s3, s4  }
0x34: {  	(v2sf) =	vpush v0, $0xF;
	[tilespmem:s6], [sflag:s14] =	stream.linear.gather [hbm4b:s8+s2], $0x80, $0x38;
	[tilespmem:$0x11000] =	vst v63  }
0x35: {  	s7 =	sand.u32 $0x1FFFFFF0, s30;
	s6 =	sadd.s32 s3, s9;
	s8 =	spop (v2sf)  }
0x36: {  	[tilespmem:s31], [sflag:s14] =	stream.linear.gather [hbm4b:s6+s2], $0x80, $0x38;
	[tilespmem:$0x11000] =	vst v63  }
0x37: {  	s9 =	sadd.s32 s3, s7;
	s30 =	sand.u32 $0x1FFFFFF0, s8;
	s31 =	spop (v2sf)  }
0x38: {  	[tilespmem:s29], [sflag:s14] =	stream.linear.gather [hbm4b:s9+s2], $0x80, $0x38;
	[tilespmem:$0x11000] =	vst v63  }
0x39: {  	s1 =	sadd.s32 s3, s30;
	s6 =	sand.u32 $0x1FFFFFF0, s31;
	s7 =	spop (v2sf)  }
0x3a: {  	[tilespmem:s28], [sflag:s14] =	stream.linear.gather [hbm4b:s1+s2], $0x80, $0x38;
	[tilespmem:$0x11000] =	vst v63  }
0x3b: {  	s8 =	sadd.s32 s3, s6;
	s9 =	sand.u32 $0x1FFFFFF0, s7;
	s28 =	spop (v2sf)  }
0x3c: {  	[tilespmem:s26], [sflag:s14] =	stream.linear.gather [hbm4b:s8+s2], $0x80, $0x38;
	[tilespmem:$0x11000] =	vst v63  }
0x3d: {  	s29 =	sadd.s32 s3, s9;
	s30 =	sand.u32 $0x1FFFFFF0, s28;
	s31 =	spop (v2sf)  }
0x3e: {  	[tilespmem:s25], [sflag:s14] =	stream.linear.gather [hbm4b:s29+s2], $0x80, $0x38;
	[tilespmem:$0x11000] =	vst v63  }
0x3f: {  	s1 =	sadd.s32 s3, s30;
	s6 =	sand.u32 $0x1FFFFFF0, s31;
	s7 =	spop (v2sf)  }
0x40: {  	[tilespmem:s24], [sflag:s14] =	stream.linear.gather [hbm4b:s1+s2], $0x80, $0x38;
	[tilespmem:$0x11000] =	vst v63  }
0x41: {  	s8 =	sadd.s32 s3, s6;
	s9 =	sand.u32 $0x1FFFFFF0, s7;
	s24 =	spop (v2sf)  }
0x42: {  	[tilespmem:s23], [sflag:s14] =	stream.linear.gather [hbm4b:s8+s2], $0x80, $0x38;
	[tilespmem:$0x11000] =	vst v63  }
0x43: {  	s25 =	sadd.s32 s3, s9;
	s26 =	sand.u32 $0x1FFFFFF0, s24;
	s28 =	spop (v2sf)  }
0x44: {  	[tilespmem:s22], [sflag:s14] =	stream.linear.gather [hbm4b:s25+s2], $0x80, $0x38;
	[tilespmem:$0x11000] =	vst v63  }
0x45: {  	s29 =	sadd.s32 $0x700, s21;
	s1 =	sadd.s32 s3, s26;
	s4 =	sand.u32 $0x1FFFFFF0, s28  }
0x46: {  	[tilespmem:s29], [sflag:s14] =	stream.linear.gather [hbm4b:s1+s2], $0x80, $0x38;
	[tilespmem:$0x11000] =	vst v63  }
0x47: {  	s30 =	sadd.s32 $0x780, s21;
	s31 =	sadd.s32 s3, s4  }
0x48: {  	[tilespmem:s30], [sflag:s14] =	stream.linear.gather [hbm4b:s31+s2], $0x80, $0x38;
	[tilespmem:$0x11000] =	vst v63  }
0x49: {  	v0 =	vld [tilespmem:s20+$0x0];
	_ =	sdelay $0x4  }
0x4a: {  	p1 =	sne.s32 s18, $0x1E000;
	v0 =	vshll.u32 v0, $0x4  }
.Ltmp0:
0x4b: {  	(v2sf) =	vpush v0, $0x0;
	(pc) =	sbr.rel @p1 .LBB2_3-.Ltmp0, $4  }
0x4c: {  	(v2sf) =	vpush v0, $0x2  }
0x4d: {  	(v2sf) =	vpush v0, $0x1  }
0x4e: {  	s18 =	sadd.s32 $0x2000, s18;
	s21 =	rddreg [dreg:$0x3];
	(v2sf) =	vpush v0, $0x3  }
0x4f: {  	s19 =	sadd.s32 $0x80, s19;
	s17 =	sadd.s32 $0x10, s17;
	s20 =	rddreg [dreg:$0x2];
	(v2sf) =	vpush v0, $0x4  }
0x50: {  	_ =	sdelay $0x3  }
0x51: {  	(v2sf) =	vpush v0, $0x5  }
0x52: {  	s0 =	sshra.s32 s16, $0x2  }
0x53: {  	s1 =	sand.u32 $0x400, s19;
	s16 =	sadd.s32 s0, s21;
	(v2sf) =	vpush v0, $0x6  }
0x54: {  	s17 =	sand.u32 $0x70, s17;
	s18 =	sadd.s32 s1, s20;
	s0 =	sadd.s32 $0x80, s16  }
0x55: {  	s21 =	sadd.s32 $0x580, s16;
	s20 =	sadd.s32 $0x600, s16;
	s19 =	sadd.s32 $0x680, s16;
	(v2sf) =	vpush v0, $0x7  }
0x56: {  	s1 =	sadd.s32 $0x400, s16;
	s4 =	sadd.s32 $0x480, s16;
	s7 =	sadd.s32 $0x500, s16  }
0x57: {  	s9 =	sadd.s32 $0x300, s16;
	s23 =	sadd.s32 $0x100, s16;
	s6 =	spop (v2sf);
	(v2sf) =	vpush v0, $0x8  }
0x58: {  	s24 =	sadd.s32 $0x280, s16;
	s6 =	sand.u32 $0x1FFFFFF0, s6;
	s8 =	spop (v2sf)  }
0x59: {  	s29 =	sadd.s32 $0x180, s16;
	s6 =	sadd.s32 s3, s6;
	s22 =	spop (v2sf);
	(v2sf) =	vpush v0, $0x9  }
0x5a: {  	[tilespmem:s16], [sflag:s14] =	stream.linear.gather [hbm4b:s6+s2], $0x80, $0x38;
	[tilespmem:$0x11000] =	vst v63  }
0x5b: {  	s26 =	sand.u32 $0x1FFFFFF0, s8;
	s22 =	sand.u32 $0x1FFFFFF0, s22;
	s25 =	spop (v2sf);
	(v2sf) =	vpush v0, $0xA  }
0x5c: {  	s8 =	sadd.s32 $0x200, s16;
	s22 =	sadd.s32 s3, s22;
	s28 =	spop (v2sf)  }
0x5d: {  	(v2sf) =	vpush v0, $0xB;
	[tilespmem:s0], [sflag:s14] =	stream.linear.gather [hbm4b:s22+s2], $0x80, $0x38;
	[tilespmem:$0x11000] =	vst v63  }
0x5e: {  	s6 =	sadd.s32 $0x380, s16;
	s25 =	sand.u32 $0x1FFFFFF0, s25;
	s0 =	sadd.s32 s3, s26  }
0x5f: {  	(v2sf) =	vpush v0, $0xC;
	[tilespmem:s23], [sflag:s14] =	stream.linear.gather [hbm4b:s0+s2], $0x80, $0x38;
	[tilespmem:$0x11000] =	vst v63  }
0x60: {  	s22 =	sand.u32 $0x1FFFFFF0, s28;
	s30 =	sadd.s32 s3, s25;
	s31 =	spop (v2sf)  }
0x61: {  	(v2sf) =	vpush v0, $0xD;
	[tilespmem:s29], [sflag:s14] =	stream.linear.gather [hbm4b:s30+s2], $0x80, $0x38;
	[tilespmem:$0x11000] =	vst v63  }
0x62: {  	s26 =	sand.u32 $0x1FFFFFF0, s31;
	s28 =	spop (v2sf);
	s23 =	sadd.s32 s3, s22  }
0x63: {  	(v2sf) =	vpush v0, $0xE;
	[tilespmem:s8], [sflag:s14] =	stream.linear.gather [hbm4b:s23+s2], $0x80, $0x38;
	[tilespmem:$0x11000] =	vst v63  }
0x64: {  	s31 =	spop (v2sf);
	s29 =	sadd.s32 s3, s26;
	s30 =	sand.u32 $0x1FFFFFF0, s28  }
0x65: {  	(v2sf) =	vpush v0, $0xF;
	[tilespmem:s24], [sflag:s14] =	stream.linear.gather [hbm4b:s29+s2], $0x80, $0x38;
	[tilespmem:$0x11000] =	vst v63  }
0x66: {  	s8 =	sadd.s32 s3, s30;
	s23 =	sand.u32 $0x1FFFFFF0, s31;
	s24 =	spop (v2sf)  }
0x67: {  	[tilespmem:s9], [sflag:s14] =	stream.linear.gather [hbm4b:s8+s2], $0x80, $0x38;
	[tilespmem:$0x11000] =	vst v63  }
0x68: {  	s25 =	sadd.s32 s3, s23;
	s26 =	sand.u32 $0x1FFFFFF0, s24;
	s28 =	spop (v2sf)  }
0x69: {  	[tilespmem:s6], [sflag:s14] =	stream.linear.gather [hbm4b:s25+s2], $0x80, $0x38;
	[tilespmem:$0x11000] =	vst v63  }
0x6a: {  	s29 =	sadd.s32 s3, s26;
	s30 =	sand.u32 $0x1FFFFFF0, s28;
	s31 =	spop (v2sf)  }
0x6b: {  	[tilespmem:s1], [sflag:s14] =	stream.linear.gather [hbm4b:s29+s2], $0x80, $0x38;
	[tilespmem:$0x11000] =	vst v63  }
0x6c: {  	s6 =	sadd.s32 s3, s30;
	s8 =	sand.u32 $0x1FFFFFF0, s31;
	s9 =	spop (v2sf)  }
0x6d: {  	[tilespmem:s4], [sflag:s14] =	stream.linear.gather [hbm4b:s6+s2], $0x80, $0x38;
	[tilespmem:$0x11000] =	vst v63  }
0x6e: {  	s22 =	sadd.s32 s3, s8;
	s23 =	sand.u32 $0x1FFFFFF0, s9;
	s24 =	spop (v2sf)  }
0x6f: {  	[tilespmem:s7], [sflag:s14] =	stream.linear.gather [hbm4b:s22+s2], $0x80, $0x38;
	[tilespmem:$0x11000] =	vst v63  }
0x70: {  	s25 =	sadd.s32 s3, s23;
	s26 =	sand.u32 $0x1FFFFFF0, s24;
	s28 =	spop (v2sf)  }
0x71: {  	[tilespmem:s21], [sflag:s14] =	stream.linear.gather [hbm4b:s25+s2], $0x80, $0x38;
	[tilespmem:$0x11000] =	vst v63  }
0x72: {  	s29 =	sadd.s32 s3, s26;
	s30 =	sand.u32 $0x1FFFFFF0, s28;
	s31 =	spop (v2sf)  }
0x73: {  	[tilespmem:s20], [sflag:s14] =	stream.linear.gather [hbm4b:s29+s2], $0x80, $0x38;
	[tilespmem:$0x11000] =	vst v63  }
0x74: {  	s6 =	sadd.s32 s3, s30;
	s7 =	sand.u32 $0x1FFFFFF0, s31;
	s8 =	spop (v2sf)  }
0x75: {  	[tilespmem:s19], [sflag:s14] =	stream.linear.gather [hbm4b:s6+s2], $0x80, $0x38;
	[tilespmem:$0x11000] =	vst v63  }
0x76: {  	s9 =	sadd.s32 $0x700, s16;
	s1 =	sadd.s32 s3, s7;
	s4 =	sand.u32 $0x1FFFFFF0, s8  }
0x77: {  	[tilespmem:s9], [sflag:s14] =	stream.linear.gather [hbm4b:s1+s2], $0x80, $0x38;
	[tilespmem:$0x11000] =	vst v63  }
0x78: {  	s18 =	sadd.s32 s17, s18;
	s4 =	sadd.s32 s3, s4;
	s19 =	sadd.s32 $0x780, s16  }
0x79: {  	[tilespmem:s19], [sflag:s14] =	stream.linear.gather [hbm4b:s4+s2], $0x80, $0x38;
	[tilespmem:$0x11000] =	vst v63  }
0x7a: {  	v63 =	vld [tilespmem:s18+$0x0];
	_ =	sdelay $0x4  }
0x7b: {  	v0 =	vshll.u32 v63, $0x4  }
0x7c: {  	(v2sf) =	vpush v0, $0x0  }
0x7d: {  	(v2sf) =	vpush v0, $0x2  }
0x7e: {  	(v2sf) =	vpush v0, $0x1;
	_ =	sdelay $0x2  }
0x7f: {  	(v2sf) =	vpush v0, $0x3;
	_ =	sdelay $0x1  }
0x80: {  	(v2sf) =	vpush v0, $0x4;
	_ =	sdelay $0x1  }
0x81: {  	(v2sf) =	vpush v0, $0x5  }
0x82: {  	s21 =	sshra.s32 s15, $0x2;
	s20 =	rddreg [dreg:$0x3]  }
0x83: {  	s15 =	sadd.s32 s21, s20;
	(v2sf) =	vpush v0, $0x6  }
0x84: {  	s0 =	sadd.s32 $0x80, s15  }
0x85: {  	s17 =	sadd.s32 $0x600, s15;
	s16 =	sadd.s32 $0x680, s15;
	s6 =	sadd.s32 $0x500, s15;
	(v2sf) =	vpush v0, $0x7  }
0x86: {  	s7 =	sadd.s32 $0x300, s15;
	s8 =	sadd.s32 $0x380, s15;
	s21 =	sadd.s32 $0x280, s15  }
0x87: {  	s1 =	sadd.s32 $0x400, s15;
	s4 =	sadd.s32 $0x480, s15;
	s22 =	spop (v2sf);
	(v2sf) =	vpush v0, $0x8  }
0x88: {  	s19 =	sadd.s32 $0x100, s15;
	s9 =	sand.u32 $0x1FFFFFF0, s22;
	s23 =	spop (v2sf)  }
0x89: {  	s18 =	sadd.s32 $0x580, s15;
	(v2sf) =	vpush v0, $0x9;
	s9 =	sadd.s32 s3, s9;
	s24 =	spop (v2sf)  }
0x8a: {  	[tilespmem:s15], [sflag:s14] =	stream.linear.gather [hbm4b:s9+s2], $0x80, $0x38;
	[tilespmem:$0x11000] =	vst v63  }
0x8b: {  	s22 =	sadd.s32 $0x180, s15;
	s20 =	sand.u32 $0x1FFFFFF0, s23;
	(v2sf) =	vpush v0, $0xA;
	s25 =	sand.u32 $0x1FFFFFF0, s24  }
0x8c: {  	s23 =	sadd.s32 $0x200, s15;
	s26 =	spop (v2sf);
	s9 =	sadd.s32 s3, s25  }
0x8d: {  	(v2sf) =	vpush v0, $0xB;
	[tilespmem:s0], [sflag:s14] =	stream.linear.gather [hbm4b:s9+s2], $0x80, $0x38;
	[tilespmem:$0x11000] =	vst v63  }
0x8e: {  	s29 =	sadd.s32 s3, s20;
	s28 =	spop (v2sf);
	s30 =	sand.u32 $0x1FFFFFF0, s26  }
0x8f: {  	(v2sf) =	vpush v0, $0xC;
	[tilespmem:s19], [sflag:s14] =	stream.linear.gather [hbm4b:s29+s2], $0x80, $0x38;
	[tilespmem:$0x11000] =	vst v63  }
0x90: {  	s31 =	sand.u32 $0x1FFFFFF0, s28;
	s9 =	sadd.s32 s3, s30;
	s24 =	spop (v2sf)  }
0x91: {  	(v2sf) =	vpush v0, $0xD;
	[tilespmem:s22], [sflag:s14] =	stream.linear.gather [hbm4b:s9+s2], $0x80, $0x38;
	[tilespmem:$0x11000] =	vst v63  }
0x92: {  	s25 =	sadd.s32 s3, s31;
	s26 =	sand.u32 $0x1FFFFFF0, s24;
	s28 =	spop (v2sf)  }
0x93: {  	(v2sf) =	vpush v0, $0xE;
	[tilespmem:s23], [sflag:s14] =	stream.linear.gather [hbm4b:s25+s2], $0x80, $0x38;
	[tilespmem:$0x11000] =	vst v63  }
0x94: {  	s29 =	sadd.s32 s3, s26;
	s30 =	sand.u32 $0x1FFFFFF0, s28;
	s31 =	spop (v2sf)  }
0x95: {  	(v2sf) =	vpush v0, $0xF;
	[tilespmem:s21], [sflag:s14] =	stream.linear.gather [hbm4b:s29+s2], $0x80, $0x38;
	[tilespmem:$0x11000] =	vst v63  }
0x96: {  	s20 =	sand.u32 $0x1FFFFFF0, s31;
	s9 =	sadd.s32 s3, s30;
	s21 =	spop (v2sf)  }
0x97: {  	[tilespmem:s7], [sflag:s14] =	stream.linear.gather [hbm4b:s9+s2], $0x80, $0x38;
	[tilespmem:$0x11000] =	vst v63  }
0x98: {  	s22 =	sadd.s32 s3, s20;
	s23 =	sand.u32 $0x1FFFFFF0, s21;
	s24 =	spop (v2sf)  }
0x99: {  	[tilespmem:s8], [sflag:s14] =	stream.linear.gather [hbm4b:s22+s2], $0x80, $0x38;
	[tilespmem:$0x11000] =	vst v63  }
0x9a: {  	s25 =	sadd.s32 s3, s23;
	s26 =	sand.u32 $0x1FFFFFF0, s24;
	s28 =	spop (v2sf)  }
0x9b: {  	[tilespmem:s1], [sflag:s14] =	stream.linear.gather [hbm4b:s25+s2], $0x80, $0x38;
	[tilespmem:$0x11000] =	vst v63  }
0x9c: {  	s29 =	sadd.s32 s3, s26;
	s30 =	sand.u32 $0x1FFFFFF0, s28;
	s31 =	spop (v2sf)  }
0x9d: {  	[tilespmem:s4], [sflag:s14] =	stream.linear.gather [hbm4b:s29+s2], $0x80, $0x38;
	[tilespmem:$0x11000] =	vst v63  }
0x9e: {  	s8 =	sand.u32 $0x1FFFFFF0, s31;
	s9 =	spop (v2sf);
	s4 =	sadd.s32 s3, s30  }
0x9f: {  	[tilespmem:s6], [sflag:s14] =	stream.linear.gather [hbm4b:s4+s2], $0x80, $0x38;
	[tilespmem:$0x11000] =	vst v63  }
0xa0: {  	s19 =	sadd.s32 s3, s8;
	s20 =	sand.u32 $0x1FFFFFF0, s9;
	s21 =	spop (v2sf)  }
0xa1: {  	[tilespmem:s18], [sflag:s14] =	stream.linear.gather [hbm4b:s19+s2], $0x80, $0x38;
	[tilespmem:$0x11000] =	vst v63  }
0xa2: {  	s22 =	sadd.s32 s3, s20;
	s23 =	sand.u32 $0x1FFFFFF0, s21;
	s24 =	spop (v2sf)  }
0xa3: {  	[tilespmem:s17], [sflag:s14] =	stream.linear.gather [hbm4b:s22+s2], $0x80, $0x38;
	[tilespmem:$0x11000] =	vst v63  }
0xa4: {  	s25 =	sadd.s32 s3, s23;
	s26 =	sand.u32 $0x1FFFFFF0, s24;
	s28 =	spop (v2sf)  }
0xa5: {  	[tilespmem:s16], [sflag:s14] =	stream.linear.gather [hbm4b:s25+s2], $0x80, $0x38;
	[tilespmem:$0x11000] =	vst v63  }
0xa6: {  	s29 =	sadd.s32 $0x700, s15;
	s1 =	sadd.s32 s3, s26;
	s4 =	sand.u32 $0x1FFFFFF0, s28  }
0xa7: {  	[tilespmem:s29], [sflag:s14] =	stream.linear.gather [hbm4b:s1+s2], $0x80, $0x38;
	[tilespmem:$0x11000] =	vst v63  }
0xa8: {  	s30 =	sadd.s32 $0x780, s15;
	s31 =	sadd.s32 s3, s4  }
0xa9: {  	[tilespmem:s30], [sflag:s14] =	stream.linear.gather [hbm4b:s31+s2], $0x80, $0x38;
	[tilespmem:$0x11000] =	vst v63  }
0xaa: {  	_ =	swait.ge [sflag:s14], $0x80  }
0xab: {  	s15 =	simm.s32 $0xFF;
	[sflag:s14] =	ssyncset.done $0x0  }
.LBB2_5:
0xac: {  	p1 =	sne.s32 s15, $0x1;
	s15 =	sadd.s32 $0xFFFFFFFF, s15;
	[sflag:s14] =	ssyncadd.s32 $0xFFFFFF80  }
.Ltmp1:
0xad: {  	(pc) =	sbr.rel @p1 .LBB2_5-.Ltmp1, $3  }
0xae: {  	_ =	sdelay $0x1  }
0xaf: {  	_ =	swait.ge [sflag:s14], $0x80  }
0xb0: {  	[sflag:s14] =	ssyncset.done $0x0  }
0xb1: {  	s0 =	sshll.u32 s11, $0xC;
	s11 =	sadd.s32 $0x1, s11  }
0xb2: {  	p1 =	sne.s32 s11, $0x10  }
.Ltmp2:
0xb3: {  	_ = 	snop;
	(pc) =	sbr.rel @p1 .LBB2_2-.Ltmp2, $4  }
0xb4: {  	_ = 	snop  }
0xb5: {  	[sflag:s14] =	ssyncadd.s32 $0xFFFFFF80  }
0xb6: {  	s1 =	sadd.s32 $0x3, s12;
	p0 =	por !p0, !p0;
	s0 =	sadd.s32 s0, s5  }
0xb7: {  	[hbm4b:s0+s2] =	stream.linear.scatter [tilespmem:s13], [sflag:s1], $0x8000, $0x38;
	[tilespmem:$0x11000] =	vst v63  }
0xb8: {  	s0 =	simm.s32 $0x3  }
0xb9: {  	_ =	swait.ge [sflag:s0], $0x8000  }
0xba: {  	[sflag:s0] =	ssyncset.done $0x0  }
0xbb: {  	s1 =	simm.s32 $0x4;
	[sflag:s0] =	ssyncadd.s32 $0xFFFF8000  }
0xbc: {  	_ =	swait.ge [sflag:s1], $0x8000  }
0xbd: {  	s10 =	sadd.s32 $0x1, s10;
	s31 =	rddreg [dreg:$0x5]  }
0xbe: {  	p0 =	sne.s32 s10, s31  }
.Ltmp3:
0xbf: {  	_ = 	snop;
	(pc) =	sbr.rel @p0 .LBB2_1-.Ltmp3, $3  }
0xc0: {  	_ =	sdelay $0x1  }
0xc1: {  	[sflag:s1] =	ssyncset.done $0x0  }
0xc2: {  	[sflag:s1] =	ssyncadd.s32 $0xFFFF8000  }
0xc3: {  	_ =	sfence.sel $0x180000  }
0xc4: {  	[bflag:$0x0] =	sbarrier.arrive $0xFFFF  }
0xc5: {  	_ =	strace $0x90000047  }
0xc6: {  	s0 =	stileid.u32;
	[bflag:$0x2] =	sbarrier.arrive $0xFFFF  }
0xc7: {  	p0 =	sne.s32 s0, $0x0;
	s0 =	rddreg [dreg:$0x1]  }
0xc8: {  	s0 =	sadd.s32 @!p0 $0x100000, s0  }
0xc9: {  	[sflag:s0] =	ssyncadd.tile.s32 @!p0 $0x1;
	_ =	shalt  }
.Lfunc_end2:
_tile_overlayer_lowered:
.L_overlay_start_2:
0xca: {  	(tag) =	ssettag $0x2  }
0xcb: {  	s0 =	rddreg [dreg:$0x0];
	s2 =	stileid.u32  }
0xcc: {  	s1 =	rddreg [dreg:$0x1];
	p0 =	sne.s32 s2, $0x0  }
0xcd: {  	s3 =	rddreg [dreg:$0x2];
	[bflag:$0x3] =	sbarrier.arrive $0xFFFF;
	s2 =	simm.s32 @!p0 $0x1C05  }
0xce: {  	[timem:s3], [sflag:s2] =	dma.local @!p0 [hbm:s0], s1  }
0xcf: {  	s0 =	simm.s32 @!p0 $0x5  }
0xd0: {  	_ =	swait.ge @!p0 [sflag:s0], s1  }
0xd1: {  	s1 =	ssub.s32 @!p0 $0x0, s1;
	[sflag:s0] =	ssyncset.done @!p0 $0x0  }
0xd2: {  	[sflag:s0] =	ssyncadd.s32 @!p0 s1  }
0xd3: {  	[bflag:$0x3] =	sbarrier.arrive $0xFFFF  }
0xd4: {  	_ =	shalt  }

</sc_bundles>
